<compile_context>
chip_gen: v7x
topology: tpu7x:2x2x1
jax: 0.10.2.dev20260603
libtpu: 0.0.44.dev20260713+nightly
codegen_flags: <defaults>
</compile_context>

<pallas_src>
import functools

import jax
import jax.numpy as jnp
from jax import lax
from jax.experimental import pallas as pl
from jax.experimental.pallas import tpu as pltpu
from jax.experimental.pallas import tpu_sc as plsc

NC = 2
NS = 16
K = 128


def _sc_degree(n_pad, niter):
    rpt = n_pad // NS
    half = niter // 2

    @functools.partial(
        pl.kernel,
        out_type=jax.ShapeDtypeStruct((NC, n_pad), jnp.float32),
        mesh=plsc.VectorSubcoreMesh(core_axis_name="c", subcore_axis_name="s"),
        scratch_types=[
            pltpu.VMEM((niter, K), jnp.int32),
            pltpu.VMEM((K,), jnp.float32),
            pltpu.VMEM_SHARED((n_pad,), jnp.float32),
        ],
    )
    def deg_kernel(dst_hbm, zero_hbm, one_hbm, deg_hbm, idx_v, ones_v, deg_sh):
        c = lax.axis_index("c")
        s = lax.axis_index("s")
        pltpu.sync_copy(zero_hbm, deg_sh.at[pl.ds(s * rpt, rpt)])
        pltpu.sync_copy(one_hbm, ones_v)
        pltpu.sync_copy(dst_hbm.at[s], idx_v)
        plsc.subcore_barrier()

        def body(j, carry):
            pltpu.sync_copy(ones_v, deg_sh.at[idx_v.at[j]], add=True)
            return carry

        lax.fori_loop(c * half, c * half + half, body, 0)
        plsc.subcore_barrier()
        pltpu.sync_copy(
            deg_sh.at[pl.ds(s * rpt, rpt)], deg_hbm.at[c, pl.ds(s * rpt, rpt)]
        )

    return deg_kernel


def _sc_scatter(n_pad, dh, niter):
    rpt = n_pad // NS

    @functools.partial(
        pl.kernel,
        out_type=jax.ShapeDtypeStruct((NC, n_pad, dh), jnp.float32),
        mesh=plsc.VectorSubcoreMesh(core_axis_name="c", subcore_axis_name="s"),
        scratch_types=[
            pltpu.VMEM((niter, K), jnp.int32),
            pltpu.VMEM((niter, K), jnp.int32),
            pltpu.VMEM((K, dh), jnp.float32),
            pltpu.VMEM((K, dh), jnp.float32),
            pltpu.VMEM_SHARED((n_pad, dh), jnp.float32),
            pltpu.SemaphoreType.DMA,
            pltpu.SemaphoreType.DMA,
        ],
        compiler_params=pltpu.CompilerParams(use_tc_tiling_on_sc=False),
    )
    def scatter_kernel(
        y_hbm, src_hbm, dst_hbm, zrow_hbm, acc_hbm,
        sidx, didx, r0, r1, acc_sh, sem0, sem1,
    ):
        c = lax.axis_index("c")
        s = lax.axis_index("s")
        yc = y_hbm.at[c]
        pltpu.sync_copy(zrow_hbm, acc_sh.at[pl.ds(s * rpt, rpt)])
        pltpu.sync_copy(src_hbm.at[s], sidx)
        pltpu.sync_copy(dst_hbm.at[s], didx)
        plsc.subcore_barrier()

        pltpu.async_copy(yc.at[sidx.at[0]], r0, sem0)

        def body(i, carry):
            j0 = 2 * i
            j1 = j0 + 1
            pltpu.async_copy(yc.at[sidx.at[j1]], r1, sem1)
            pltpu.make_async_copy(yc.at[pl.ds(0, K)], r0, sem0).wait()
            pltpu.sync_copy(r0, acc_sh.at[didx.at[j0]], add=True)

            @pl.when(i < niter // 2 - 1)
            def _():
                pltpu.async_copy(yc.at[sidx.at[j0 + 2]], r0, sem0)

            pltpu.make_async_copy(yc.at[pl.ds(0, K)], r1, sem1).wait()
            pltpu.sync_copy(r1, acc_sh.at[didx.at[j1]], add=True)
            return carry

        lax.fori_loop(0, niter // 2, body, 0)
        plsc.subcore_barrier()
        pltpu.sync_copy(
            acc_sh.at[pl.ds(s * rpt, rpt)], acc_hbm.at[c, pl.ds(s * rpt, rpt)]
        )

    return scatter_kernel


def _tc_first(n, n_pad, d, dh, blk):
    def body(deg_ref, x_ref, w_ref, dinv_ref, y_ref):
        i = pl.program_id(0)
        dsum = deg_ref[0] + deg_ref[1] + 1.0
        rows = lax.broadcasted_iota(jnp.int32, (blk, 1), 0) + i * blk
        dinv = jnp.where(rows < n, lax.rsqrt(dsum), 0.0)
        dinv_ref[...] = dinv
        y = (
            jnp.dot(x_ref[...], w_ref[...], preferred_element_type=jnp.float32)
            * dinv
        )
        y_ref[0] = y[:, :dh]
        y_ref[1] = y[:, dh:]

    return pl.pallas_call(
        body,
        grid=(n_pad // blk,),
        in_specs=[
            pl.BlockSpec((NC, blk, 1), lambda i: (0, i, 0)),
            pl.BlockSpec((blk, d), lambda i: (i, 0)),
            pl.BlockSpec((d, d), lambda i: (0, 0)),
        ],
        out_specs=[
            pl.BlockSpec((blk, 1), lambda i: (i, 0)),
            pl.BlockSpec((NC, blk, dh), lambda i: (0, i, 0)),
        ],
        out_shape=[
            jax.ShapeDtypeStruct((n_pad, 1), jnp.float32),
            jax.ShapeDtypeStruct((NC, n_pad, dh), jnp.float32),
        ],
    )


def _tc_mid(n_pad, d, dh, blk):
    def body(acc_ref, y1_ref, dinv_ref, w_ref, b_ref, y2_ref):
        dinv = dinv_ref[...]
        a = jnp.concatenate([acc_ref[0] + y1_ref[0], acc_ref[1] + y1_ref[1]], axis=1)
        h = a * dinv + b_ref[...]
        y2 = jnp.dot(h, w_ref[...], preferred_element_type=jnp.float32) * dinv
        y2_ref[0] = y2[:, :dh]
        y2_ref[1] = y2[:, dh:]

    return pl.pallas_call(
        body,
        grid=(n_pad // blk,),
        in_specs=[
            pl.BlockSpec((NC, blk, dh), lambda i: (0, i, 0)),
            pl.BlockSpec((NC, blk, dh), lambda i: (0, i, 0)),
            pl.BlockSpec((blk, 1), lambda i: (i, 0)),
            pl.BlockSpec((d, d), lambda i: (0, 0)),
            pl.BlockSpec((1, d), lambda i: (0, 0)),
        ],
        out_specs=pl.BlockSpec((NC, blk, dh), lambda i: (0, i, 0)),
        out_shape=jax.ShapeDtypeStruct((NC, n_pad, dh), jnp.float32),
    )


def _tc_last(n, d, dh, blk):
    def body(acc_ref, y2_ref, dinv_ref, b_ref, out_ref):
        a = jnp.concatenate([acc_ref[0] + y2_ref[0], acc_ref[1] + y2_ref[1]], axis=1)
        out_ref[...] = a * dinv_ref[...] + b_ref[...]

    return pl.pallas_call(
        body,
        grid=(n // blk,),
        in_specs=[
            pl.BlockSpec((NC, blk, dh), lambda i: (0, i, 0)),
            pl.BlockSpec((NC, blk, dh), lambda i: (0, i, 0)),
            pl.BlockSpec((blk, 1), lambda i: (i, 0)),
            pl.BlockSpec((1, d), lambda i: (0, 0)),
        ],
        out_specs=pl.BlockSpec((blk, d), lambda i: (i, 0)),
        out_shape=jax.ShapeDtypeStruct((n, d), jnp.float32),
    )


def kernel(x, edge_index, W, b):
    n, d = x.shape
    e = edge_index.shape[1]
    dh = d // NC

    n_pad = ((n + 2047) // 2048) * 2048
    ept = (e + NS * K - 1) // (NS * K)
    niter = ept + (ept % 2)
    e_pad = NS * niter * K
    blk = 1024

    src = edge_index[0].astype(jnp.int32)
    dst = edge_index[1].astype(jnp.int32)
    pad = jnp.full((e_pad - e,), n, jnp.int32)
    src3 = jnp.concatenate([src, pad]).reshape(NS, niter, K)
    dst3 = jnp.concatenate([dst, pad]).reshape(NS, niter, K)
    x_p = jnp.pad(x, ((0, n_pad - n), (0, 0)))
    b2 = b.reshape(1, d)

    zero_deg = jnp.zeros((n_pad // NS,), jnp.float32)
    ones_k = jnp.ones((K,), jnp.float32)
    zero_rows = jnp.zeros((n_pad // NS, dh), jnp.float32)

    deg2 = _sc_degree(n_pad, niter)(dst3, zero_deg, ones_k)
    scatter = _sc_scatter(n_pad, dh, niter)

    dinv, y1 = _tc_first(n, n_pad, d, dh, blk)(deg2.reshape(NC, n_pad, 1), x_p, W)
    acc1 = scatter(y1, src3, dst3, zero_rows)
    y2 = _tc_mid(n_pad, d, dh, blk)(acc1, y1, dinv, W, b2)
    acc2 = scatter(y2, src3, dst3, zero_rows)
    return _tc_last(n, d, dh, 1000)(acc2, y2, dinv, b2)

# --- scband reference (transcript-rebuilt; emitter-appended) ---
"""Pipeline reference for scband-gcn-52931176956522 (READ-ONLY COPY).

The authoritative reference and input builder live on the scoring server;
editing this copy changes nothing except your own understanding.
"""

import jax, jax.numpy as jnp
import numpy as np

N_NODES = 10000
N_EDGES = 320000
D = 128


def setup_inputs(seed: int = 0) -> dict:
    key = jax.random.key(seed)
    k1, k2, k3, k4 = jax.random.split(key, 4)
    x = jax.random.normal(k1, (N_NODES, D), dtype=jnp.float32)
    edge_index = jax.random.randint(k2, (2, N_EDGES), 0, N_NODES, dtype=jnp.int64)
    # GCNConv(num_features, num_features): shared across both applications
    W = jax.random.normal(k3, (D, D), dtype=jnp.float32) * (1.0 / np.sqrt(D))
    b = jnp.zeros((D,), dtype=jnp.float32)
    return {"x": x, "edge_index": edge_index, "W": W, "b": b}


def _gcn_conv(x, edge_index, W, b):
    n = x.shape[0]
    src = edge_index[0]
    dst = edge_index[1]
    # add self loops (PyG GCNConv default add_self_loops=True)
    loop = jnp.arange(n, dtype=src.dtype)
    src = jnp.concatenate([src, loop])
    dst = jnp.concatenate([dst, loop])
    # linear transform
    xw = x @ W
    # symmetric normalization D^{-1/2} A_hat D^{-1/2}
    deg = jnp.zeros((n,), dtype=xw.dtype).at[dst].add(1.0)
    dinv = jnp.where(deg > 0, deg ** -0.5, 0.0)
    norm = dinv[src] * dinv[dst]
    # gather messages from src, scale, scatter-add into dst
    msg = jnp.take(xw, src, axis=0) * norm[:, None]
    out = jnp.zeros_like(xw).at[dst].add(msg)
    return out + b


def reference(x, edge_index, W, b):
    h = _gcn_conv(x, edge_index, W, b)
    h = _gcn_conv(h, edge_index, W, b)
    return h

if __name__ == "__main__":
    import jax
    _d = setup_inputs()
    print(jax.jit(kernel)(*tuple(_d.values())))

</pallas_src>

<mosaic_0001>
#map = affine_map<(d0, d1) -> (0, 0, 0)>
#map1 = affine_map<(d0, d1) -> (0)>
#map2 = affine_map<(d0, d1) -> (0, 0)>
module attributes {stable_mosaic.version = 14 : i64} {
  func.func @deg_kernel(%arg0: i32, %arg1: i32, %arg2: memref<16x158x128xi32, #tpu.memory_space<hbm>>, %arg3: memref<640xf32, #tpu.memory_space<hbm>>, %arg4: memref<128xf32, #tpu.memory_space<hbm>>, %arg5: memref<2x10240xf32, #tpu.memory_space<hbm>>, %arg6: memref<158x128xi32, #tpu.memory_space<vmem>>, %arg7: memref<128xf32, #tpu.memory_space<vmem>>, %arg8: memref<10240xf32, #tpu.memory_space<vmem_shared>>) attributes {dimension_semantics = [#tpu.dimension_semantics<core_parallel>, #tpu.dimension_semantics<subcore_parallel>], iteration_bounds = array<i64: 2, 16>, scalar_prefetch = 0 : i64, scratch_operands = 3 : i64, tpu.core_type = #tpu.core_type<sc_vector_subcore>, window_params = [{transform_indices = #map}, {transform_indices = #map1}, {transform_indices = #map1}, {transform_indices = #map2}]} {
    %mul3A = arith.constant 640 : i32
    %mul3A_0 = arith.muli %arg1, %mul3A : i32
    "tpu.region"() ({
      %run_scoped3A = tpu.sem_alloc : memref<!tpu.dma_semaphore, #tpu.memory_space<semaphore_mem>>
      %dma_start3A = tpu.memref_slice %arg8[%mul3A_0] : memref<10240xf32, #tpu.memory_space<vmem_shared>> -> memref<640xf32, #tpu.memory_space<vmem_shared>>
      tpu.enqueue_dma source(%arg3 : memref<640xf32, #tpu.memory_space<hbm>>) target(%dma_start3A : memref<640xf32, #tpu.memory_space<vmem_shared>>) target_semaphore(%run_scoped3A : memref<!tpu.dma_semaphore, #tpu.memory_space<semaphore_mem>>)
      %dma_wait3A = tpu.memref_slice %arg8[%mul3A_0] : memref<10240xf32, #tpu.memory_space<vmem_shared>> -> memref<640xf32, #tpu.memory_space<vmem_shared>>
      tpu.wait_dma2 semaphore(%run_scoped3A : memref<!tpu.dma_semaphore, #tpu.memory_space<semaphore_mem>>) src(%arg3 : memref<640xf32, #tpu.memory_space<hbm>>) dst(%dma_wait3A : memref<640xf32, #tpu.memory_space<vmem_shared>>)
      tpu.yield
    }) : () -> ()
    "tpu.region"() ({
      %run_scoped3A = tpu.sem_alloc : memref<!tpu.dma_semaphore, #tpu.memory_space<semaphore_mem>>
      tpu.enqueue_dma source(%arg4 : memref<128xf32, #tpu.memory_space<hbm>>) target(%arg7 : memref<128xf32, #tpu.memory_space<vmem>>) target_semaphore(%run_scoped3A : memref<!tpu.dma_semaphore, #tpu.memory_space<semaphore_mem>>)
      tpu.wait_dma2 semaphore(%run_scoped3A : memref<!tpu.dma_semaphore, #tpu.memory_space<semaphore_mem>>) src(%arg4 : memref<128xf32, #tpu.memory_space<hbm>>) dst(%arg7 : memref<128xf32, #tpu.memory_space<vmem>>)
      tpu.yield
    }) : () -> ()
    "tpu.region"() ({
      %run_scoped3A = tpu.sem_alloc : memref<!tpu.dma_semaphore, #tpu.memory_space<semaphore_mem>>
      %dma_start3A = arith.constant 0 : i32
      %dma_start3A_19 = arith.constant 0 : i32
      %dma_start3A_20 = tpu.memref_slice %arg2[%arg1, %dma_start3A, %dma_start3A_19] : memref<16x158x128xi32, #tpu.memory_space<hbm>> -> memref<1x158x128xi32, #tpu.memory_space<hbm>>
      %dma_start3A_21 = tpu.memref_squeeze %dma_start3A_20 : memref<1x158x128xi32, #tpu.memory_space<hbm>> -> memref<158x128xi32, #tpu.memory_space<hbm>>
      %dma_start3A_22 = arith.constant 0 : i32
      %dma_start3A_23 = arith.constant 0 : i32
      %dma_start3A_24 = tpu.memref_slice %arg2[%arg1, %dma_start3A_22, %dma_start3A_23] : memref<16x158x128xi32, #tpu.memory_space<hbm>> -> memref<1x158x128xi32, #tpu.memory_space<hbm>>
      %dma_start3A_25 = tpu.memref_squeeze %dma_start3A_24 : memref<1x158x128xi32, #tpu.memory_space<hbm>> -> memref<158x128xi32, #tpu.memory_space<hbm>>
      tpu.enqueue_dma source(%dma_start3A_25 : memref<158x128xi32, #tpu.memory_space<hbm>>) target(%arg6 : memref<158x128xi32, #tpu.memory_space<vmem>>) target_semaphore(%run_scoped3A : memref<!tpu.dma_semaphore, #tpu.memory_space<semaphore_mem>>)
      %dma_wait3A = arith.constant 0 : i32
      %dma_wait3A_26 = arith.constant 0 : i32
      %dma_wait3A_27 = tpu.memref_slice %arg2[%arg1, %dma_wait3A, %dma_wait3A_26] : memref<16x158x128xi32, #tpu.memory_space<hbm>> -> memref<1x158x128xi32, #tpu.memory_space<hbm>>
      %dma_wait3A_28 = tpu.memref_squeeze %dma_wait3A_27 : memref<1x158x128xi32, #tpu.memory_space<hbm>> -> memref<158x128xi32, #tpu.memory_space<hbm>>
      %dma_wait3A_29 = arith.constant 0 : i32
      %dma_wait3A_30 = arith.constant 0 : i32
      %dma_wait3A_31 = tpu.memref_slice %arg2[%arg1, %dma_wait3A_29, %dma_wait3A_30] : memref<16x158x128xi32, #tpu.memory_space<hbm>> -> memref<1x158x128xi32, #tpu.memory_space<hbm>>
      %dma_wait3A_32 = tpu.memref_squeeze %dma_wait3A_31 : memref<1x158x128xi32, #tpu.memory_space<hbm>> -> memref<158x128xi32, #tpu.memory_space<hbm>>
      tpu.wait_dma2 semaphore(%run_scoped3A : memref<!tpu.dma_semaphore, #tpu.memory_space<semaphore_mem>>) src(%dma_wait3A_32 : memref<158x128xi32, #tpu.memory_space<hbm>>) dst(%arg6 : memref<158x128xi32, #tpu.memory_space<vmem>>)
      tpu.yield
    }) : () -> ()
    %barrier3A = arith.constant 0 : index
    tpu.barrier barrier_id(%barrier3A)
    %mul3A_1 = arith.constant 79 : i32
    %mul3A_2 = arith.muli %arg0, %mul3A_1 : i32
    %mul3A_3 = arith.constant 79 : i32
    %mul3A_4 = arith.muli %arg0, %mul3A_3 : i32
    %add3A = arith.constant 79 : i32
    %add3A_5 = arith.addi %mul3A_4, %add3A : i32
    %while3A = arith.constant 0 : i32
    %while3A_6 = arith.subi %add3A_5, %mul3A_2 : i32
    %while3A_7 = arith.addi %mul3A_2, %while3A_6 : i32
    %while3A_8 = arith.constant 1 : i32
    %while3A_9 = arith.divsi %while3A_6, %while3A_8 : i32
    %while3A_10 = arith.muli %while3A_9, %while3A_8 : i32
    %while3A_11 = arith.addi %mul3A_2, %while3A_10 : i32
    %while3A_12 = arith.constant 1 : i32
    scf.for %while3A_19 = %mul3A_2 to %while3A_11 step %while3A_12  : i32 {
      "tpu.region"() ({
        %run_scoped3A = tpu.sem_alloc : memref<!tpu.dma_semaphore, #tpu.memory_space<semaphore_mem>>
        %dma_start3A = arith.constant 0 : i32
        %dma_start3A_20 = tpu.memref_slice %arg6[%while3A_19, %dma_start3A] : memref<158x128xi32, #tpu.memory_space<vmem>> -> memref<1x128xi32, #tpu.memory_space<vmem>>
        %dma_start3A_21 = tpu.memref_squeeze %dma_start3A_20 : memref<1x128xi32, #tpu.memory_space<vmem>> -> memref<128xi32, #tpu.memory_space<vmem>>
        %dma_start3A_22 = arith.constant 0 : i32
        %dma_start3A_23 = tpu.memref_slice %arg8[%dma_start3A_22] : memref<10240xf32, #tpu.memory_space<vmem_shared>> -> memref<10240xf32, #tpu.memory_space<vmem_shared>>
        tpu.enqueue_indirect_dma source(%arg7 : memref<128xf32, #tpu.memory_space<vmem>>) target(%dma_start3A_23 : memref<10240xf32, #tpu.memory_space<vmem_shared>>) offsets(%dma_start3A_21 : memref<128xi32, #tpu.memory_space<vmem>>) semaphore(%run_scoped3A : memref<!tpu.dma_semaphore, #tpu.memory_space<semaphore_mem>>) {add = true}
        %dma_wait3A = arith.constant 0 : i32
        %dma_wait3A_24 = tpu.memref_slice %arg6[%while3A_19, %dma_wait3A] : memref<158x128xi32, #tpu.memory_space<vmem>> -> memref<1x128xi32, #tpu.memory_space<vmem>>
        %dma_wait3A_25 = tpu.memref_squeeze %dma_wait3A_24 : memref<1x128xi32, #tpu.memory_space<vmem>> -> memref<128xi32, #tpu.memory_space<vmem>>
        %dma_wait3A_26 = arith.constant 0 : i32
        %dma_wait3A_27 = tpu.memref_slice %arg8[%dma_wait3A_26] : memref<10240xf32, #tpu.memory_space<vmem_shared>> -> memref<10240xf32, #tpu.memory_space<vmem_shared>>
        tpu.wait_indirect_dma semaphore(%run_scoped3A : memref<!tpu.dma_semaphore, #tpu.memory_space<semaphore_mem>>) src(%arg7 : memref<128xf32, #tpu.memory_space<vmem>>) dst(%dma_wait3A_27 : memref<10240xf32, #tpu.memory_space<vmem_shared>>)
        tpu.yield
      }) : () -> ()
    }
    %while3A_13 = arith.constant 1 : i32
    scf.for %while3A_19 = %while3A_11 to %while3A_7 step %while3A_13  : i32 {
      "tpu.region"() ({
        %run_scoped3A = tpu.sem_alloc : memref<!tpu.dma_semaphore, #tpu.memory_space<semaphore_mem>>
        %dma_start3A = arith.constant 0 : i32
        %dma_start3A_20 = tpu.memref_slice %arg6[%while3A_19, %dma_start3A] : memref<158x128xi32, #tpu.memory_space<vmem>> -> memref<1x128xi32, #tpu.memory_space<vmem>>
        %dma_start3A_21 = tpu.memref_squeeze %dma_start3A_20 : memref<1x128xi32, #tpu.memory_space<vmem>> -> memref<128xi32, #tpu.memory_space<vmem>>
        %dma_start3A_22 = arith.constant 0 : i32
        %dma_start3A_23 = tpu.memref_slice %arg8[%dma_start3A_22] : memref<10240xf32, #tpu.memory_space<vmem_shared>> -> memref<10240xf32, #tpu.memory_space<vmem_shared>>
        tpu.enqueue_indirect_dma source(%arg7 : memref<128xf32, #tpu.memory_space<vmem>>) target(%dma_start3A_23 : memref<10240xf32, #tpu.memory_space<vmem_shared>>) offsets(%dma_start3A_21 : memref<128xi32, #tpu.memory_space<vmem>>) semaphore(%run_scoped3A : memref<!tpu.dma_semaphore, #tpu.memory_space<semaphore_mem>>) {add = true}
        %dma_wait3A = arith.constant 0 : i32
        %dma_wait3A_24 = tpu.memref_slice %arg6[%while3A_19, %dma_wait3A] : memref<158x128xi32, #tpu.memory_space<vmem>> -> memref<1x128xi32, #tpu.memory_space<vmem>>
        %dma_wait3A_25 = tpu.memref_squeeze %dma_wait3A_24 : memref<1x128xi32, #tpu.memory_space<vmem>> -> memref<128xi32, #tpu.memory_space<vmem>>
        %dma_wait3A_26 = arith.constant 0 : i32
        %dma_wait3A_27 = tpu.memref_slice %arg8[%dma_wait3A_26] : memref<10240xf32, #tpu.memory_space<vmem_shared>> -> memref<10240xf32, #tpu.memory_space<vmem_shared>>
        tpu.wait_indirect_dma semaphore(%run_scoped3A : memref<!tpu.dma_semaphore, #tpu.memory_space<semaphore_mem>>) src(%arg7 : memref<128xf32, #tpu.memory_space<vmem>>) dst(%dma_wait3A_27 : memref<10240xf32, #tpu.memory_space<vmem_shared>>)
        tpu.yield
      }) : () -> ()
    }
    %barrier3A_14 = arith.constant 0 : index
    tpu.barrier barrier_id(%barrier3A_14)
    %mul3A_15 = arith.constant 640 : i32
    %mul3A_16 = arith.muli %arg1, %mul3A_15 : i32
    %mul3A_17 = arith.constant 640 : i32
    %mul3A_18 = arith.muli %arg1, %mul3A_17 : i32
    "tpu.region"() ({
      %run_scoped3A = tpu.sem_alloc : memref<!tpu.dma_semaphore, #tpu.memory_space<semaphore_mem>>
      %dma_start3A = tpu.memref_slice %arg5[%arg0, %mul3A_18] : memref<2x10240xf32, #tpu.memory_space<hbm>> -> memref<1x640xf32, #tpu.memory_space<hbm>>
      %dma_start3A_19 = tpu.memref_squeeze %dma_start3A : memref<1x640xf32, #tpu.memory_space<hbm>> -> memref<640xf32, #tpu.memory_space<hbm>>
      %dma_start3A_20 = tpu.memref_slice %arg8[%mul3A_16] : memref<10240xf32, #tpu.memory_space<vmem_shared>> -> memref<640xf32, #tpu.memory_space<vmem_shared>>
      tpu.enqueue_dma source(%dma_start3A_20 : memref<640xf32, #tpu.memory_space<vmem_shared>>) target(%dma_start3A_19 : memref<640xf32, #tpu.memory_space<hbm>>) target_semaphore(%run_scoped3A : memref<!tpu.dma_semaphore, #tpu.memory_space<semaphore_mem>>)
      %dma_wait3A = tpu.memref_slice %arg5[%arg0, %mul3A_18] : memref<2x10240xf32, #tpu.memory_space<hbm>> -> memref<1x640xf32, #tpu.memory_space<hbm>>
      %dma_wait3A_21 = tpu.memref_squeeze %dma_wait3A : memref<1x640xf32, #tpu.memory_space<hbm>> -> memref<640xf32, #tpu.memory_space<hbm>>
      %dma_wait3A_22 = tpu.memref_slice %arg8[%mul3A_16] : memref<10240xf32, #tpu.memory_space<vmem_shared>> -> memref<640xf32, #tpu.memory_space<vmem_shared>>
      tpu.wait_dma2 semaphore(%run_scoped3A : memref<!tpu.dma_semaphore, #tpu.memory_space<semaphore_mem>>) src(%dma_wait3A_22 : memref<640xf32, #tpu.memory_space<vmem_shared>>) dst(%dma_wait3A_21 : memref<640xf32, #tpu.memory_space<hbm>>)
      tpu.yield
    }) : () -> ()
    return
  }
}

#map = affine_map<(d0, d1) -> (0, 0, 0)>
#map1 = affine_map<(d0, d1) -> (0, 0)>
module attributes {stable_mosaic.version = 14 : i64} {
  func.func @scatter_kernel(%arg0: i32, %arg1: i32, %arg2: memref<2x10240x64xf32, #tpu.memory_space<hbm>>, %arg3: memref<16x158x128xi32, #tpu.memory_space<hbm>>, %arg4: memref<16x158x128xi32, #tpu.memory_space<hbm>>, %arg5: memref<640x64xf32, #tpu.memory_space<hbm>>, %arg6: memref<2x10240x64xf32, #tpu.memory_space<hbm>>, %arg7: memref<158x128xi32, #tpu.memory_space<vmem>>, %arg8: memref<158x128xi32, #tpu.memory_space<vmem>>, %arg9: memref<128x64xf32, #tpu.memory_space<vmem>>, %arg10: memref<128x64xf32, #tpu.memory_space<vmem>>, %arg11: memref<10240x64xf32, #tpu.memory_space<vmem_shared>>, %arg12: memref<!tpu.dma_semaphore, #tpu.memory_space<semaphore_mem>>, %arg13: memref<!tpu.dma_semaphore, #tpu.memory_space<semaphore_mem>>) attributes {dimension_semantics = [#tpu.dimension_semantics<core_parallel>, #tpu.dimension_semantics<subcore_parallel>], iteration_bounds = array<i64: 2, 16>, scalar_prefetch = 0 : i64, scratch_operands = 7 : i64, tpu.core_type = #tpu.core_type<sc_vector_subcore>, window_params = [{transform_indices = #map}, {transform_indices = #map}, {transform_indices = #map}, {transform_indices = #map1}, {transform_indices = #map}]} {
    %mul3A = arith.constant 640 : i32
    %mul3A_0 = arith.muli %arg1, %mul3A : i32
    "tpu.region"() ({
      %run_scoped3A = tpu.sem_alloc : memref<!tpu.dma_semaphore, #tpu.memory_space<semaphore_mem>>
      %dma_start3A_21 = arith.constant 0 : i32
      %dma_start3A_22 = tpu.memref_slice %arg11[%mul3A_0, %dma_start3A_21] : memref<10240x64xf32, #tpu.memory_space<vmem_shared>> -> memref<640x64xf32, #tpu.memory_space<vmem_shared>>
      tpu.enqueue_dma source(%arg5 : memref<640x64xf32, #tpu.memory_space<hbm>>) target(%dma_start3A_22 : memref<640x64xf32, #tpu.memory_space<vmem_shared>>) target_semaphore(%run_scoped3A : memref<!tpu.dma_semaphore, #tpu.memory_space<semaphore_mem>>)
      %dma_wait3A = arith.constant 0 : i32
      %dma_wait3A_23 = tpu.memref_slice %arg11[%mul3A_0, %dma_wait3A] : memref<10240x64xf32, #tpu.memory_space<vmem_shared>> -> memref<640x64xf32, #tpu.memory_space<vmem_shared>>
      tpu.wait_dma2 semaphore(%run_scoped3A : memref<!tpu.dma_semaphore, #tpu.memory_space<semaphore_mem>>) src(%arg5 : memref<640x64xf32, #tpu.memory_space<hbm>>) dst(%dma_wait3A_23 : memref<640x64xf32, #tpu.memory_space<vmem_shared>>)
      tpu.yield
    }) : () -> ()
    "tpu.region"() ({
      %run_scoped3A = tpu.sem_alloc : memref<!tpu.dma_semaphore, #tpu.memory_space<semaphore_mem>>
      %dma_start3A_21 = arith.constant 0 : i32
      %dma_start3A_22 = arith.constant 0 : i32
      %dma_start3A_23 = tpu.memref_slice %arg3[%arg1, %dma_start3A_21, %dma_start3A_22] : memref<16x158x128xi32, #tpu.memory_space<hbm>> -> memref<1x158x128xi32, #tpu.memory_space<hbm>>
      %dma_start3A_24 = tpu.memref_squeeze %dma_start3A_23 : memref<1x158x128xi32, #tpu.memory_space<hbm>> -> memref<158x128xi32, #tpu.memory_space<hbm>>
      %dma_start3A_25 = arith.constant 0 : i32
      %dma_start3A_26 = arith.constant 0 : i32
      %dma_start3A_27 = tpu.memref_slice %arg3[%arg1, %dma_start3A_25, %dma_start3A_26] : memref<16x158x128xi32, #tpu.memory_space<hbm>> -> memref<1x158x128xi32, #tpu.memory_space<hbm>>
      %dma_start3A_28 = tpu.memref_squeeze %dma_start3A_27 : memref<1x158x128xi32, #tpu.memory_space<hbm>> -> memref<158x128xi32, #tpu.memory_space<hbm>>
      tpu.enqueue_dma source(%dma_start3A_28 : memref<158x128xi32, #tpu.memory_space<hbm>>) target(%arg7 : memref<158x128xi32, #tpu.memory_space<vmem>>) target_semaphore(%run_scoped3A : memref<!tpu.dma_semaphore, #tpu.memory_space<semaphore_mem>>)
      %dma_wait3A = arith.constant 0 : i32
      %dma_wait3A_29 = arith.constant 0 : i32
      %dma_wait3A_30 = tpu.memref_slice %arg3[%arg1, %dma_wait3A, %dma_wait3A_29] : memref<16x158x128xi32, #tpu.memory_space<hbm>> -> memref<1x158x128xi32, #tpu.memory_space<hbm>>
      %dma_wait3A_31 = tpu.memref_squeeze %dma_wait3A_30 : memref<1x158x128xi32, #tpu.memory_space<hbm>> -> memref<158x128xi32, #tpu.memory_space<hbm>>
      %dma_wait3A_32 = arith.constant 0 : i32
      %dma_wait3A_33 = arith.constant 0 : i32
      %dma_wait3A_34 = tpu.memref_slice %arg3[%arg1, %dma_wait3A_32, %dma_wait3A_33] : memref<16x158x128xi32, #tpu.memory_space<hbm>> -> memref<1x158x128xi32, #tpu.memory_space<hbm>>
      %dma_wait3A_35 = tpu.memref_squeeze %dma_wait3A_34 : memref<1x158x128xi32, #tpu.memory_space<hbm>> -> memref<158x128xi32, #tpu.memory_space<hbm>>
      tpu.wait_dma2 semaphore(%run_scoped3A : memref<!tpu.dma_semaphore, #tpu.memory_space<semaphore_mem>>) src(%dma_wait3A_35 : memref<158x128xi32, #tpu.memory_space<hbm>>) dst(%arg7 : memref<158x128xi32, #tpu.memory_space<vmem>>)
      tpu.yield
    }) : () -> ()
    "tpu.region"() ({
      %run_scoped3A = tpu.sem_alloc : memref<!tpu.dma_semaphore, #tpu.memory_space<semaphore_mem>>
      %dma_start3A_21 = arith.constant 0 : i32
      %dma_start3A_22 = arith.constant 0 : i32
      %dma_start3A_23 = tpu.memref_slice %arg4[%arg1, %dma_start3A_21, %dma_start3A_22] : memref<16x158x128xi32, #tpu.memory_space<hbm>> -> memref<1x158x128xi32, #tpu.memory_space<hbm>>
      %dma_start3A_24 = tpu.memref_squeeze %dma_start3A_23 : memref<1x158x128xi32, #tpu.memory_space<hbm>> -> memref<158x128xi32, #tpu.memory_space<hbm>>
      %dma_start3A_25 = arith.constant 0 : i32
      %dma_start3A_26 = arith.constant 0 : i32
      %dma_start3A_27 = tpu.memref_slice %arg4[%arg1, %dma_start3A_25, %dma_start3A_26] : memref<16x158x128xi32, #tpu.memory_space<hbm>> -> memref<1x158x128xi32, #tpu.memory_space<hbm>>
      %dma_start3A_28 = tpu.memref_squeeze %dma_start3A_27 : memref<1x158x128xi32, #tpu.memory_space<hbm>> -> memref<158x128xi32, #tpu.memory_space<hbm>>
      tpu.enqueue_dma source(%dma_start3A_28 : memref<158x128xi32, #tpu.memory_space<hbm>>) target(%arg8 : memref<158x128xi32, #tpu.memory_space<vmem>>) target_semaphore(%run_scoped3A : memref<!tpu.dma_semaphore, #tpu.memory_space<semaphore_mem>>)
      %dma_wait3A = arith.constant 0 : i32
      %dma_wait3A_29 = arith.constant 0 : i32
      %dma_wait3A_30 = tpu.memref_slice %arg4[%arg1, %dma_wait3A, %dma_wait3A_29] : memref<16x158x128xi32, #tpu.memory_space<hbm>> -> memref<1x158x128xi32, #tpu.memory_space<hbm>>
      %dma_wait3A_31 = tpu.memref_squeeze %dma_wait3A_30 : memref<1x158x128xi32, #tpu.memory_space<hbm>> -> memref<158x128xi32, #tpu.memory_space<hbm>>
      %dma_wait3A_32 = arith.constant 0 : i32
      %dma_wait3A_33 = arith.constant 0 : i32
      %dma_wait3A_34 = tpu.memref_slice %arg4[%arg1, %dma_wait3A_32, %dma_wait3A_33] : memref<16x158x128xi32, #tpu.memory_space<hbm>> -> memref<1x158x128xi32, #tpu.memory_space<hbm>>
      %dma_wait3A_35 = tpu.memref_squeeze %dma_wait3A_34 : memref<1x158x128xi32, #tpu.memory_space<hbm>> -> memref<158x128xi32, #tpu.memory_space<hbm>>
      tpu.wait_dma2 semaphore(%run_scoped3A : memref<!tpu.dma_semaphore, #tpu.memory_space<semaphore_mem>>) src(%dma_wait3A_35 : memref<158x128xi32, #tpu.memory_space<hbm>>) dst(%arg8 : memref<158x128xi32, #tpu.memory_space<vmem>>)
      tpu.yield
    }) : () -> ()
    %barrier3A = arith.constant 0 : index
    tpu.barrier barrier_id(%barrier3A)
    %dma_start3A = arith.constant 0 : i32
    %dma_start3A_1 = arith.constant 0 : i32
    %dma_start3A_2 = tpu.memref_slice %arg7[%dma_start3A, %dma_start3A_1] : memref<158x128xi32, #tpu.memory_space<vmem>> -> memref<1x128xi32, #tpu.memory_space<vmem>>
    %dma_start3A_3 = tpu.memref_squeeze %dma_start3A_2 : memref<1x128xi32, #tpu.memory_space<vmem>> -> memref<128xi32, #tpu.memory_space<vmem>>
    %dma_start3A_4 = arith.constant 0 : i32
    %dma_start3A_5 = arith.constant 0 : i32
    %dma_start3A_6 = tpu.memref_slice %arg2[%arg0, %dma_start3A_4, %dma_start3A_5] : memref<2x10240x64xf32, #tpu.memory_space<hbm>> -> memref<1x10240x64xf32, #tpu.memory_space<hbm>>
    %dma_start3A_7 = tpu.memref_squeeze %dma_start3A_6 : memref<1x10240x64xf32, #tpu.memory_space<hbm>> -> memref<10240x64xf32, #tpu.memory_space<hbm>>
    %dma_start3A_8 = arith.constant 0 : i32
    %dma_start3A_9 = arith.constant 0 : i32
    %dma_start3A_10 = tpu.memref_slice %dma_start3A_7[%dma_start3A_8, %dma_start3A_9] : memref<10240x64xf32, #tpu.memory_space<hbm>> -> memref<10240x64xf32, #tpu.memory_space<hbm>>
    tpu.enqueue_indirect_dma source(%dma_start3A_10 : memref<10240x64xf32, #tpu.memory_space<hbm>>) target(%arg9 : memref<128x64xf32, #tpu.memory_space<vmem>>) offsets(%dma_start3A_3 : memref<128xi32, #tpu.memory_space<vmem>>) semaphore(%arg12 : memref<!tpu.dma_semaphore, #tpu.memory_space<semaphore_mem>>)
    %scan3A = arith.constant 0 : i32
    %scan3A_11 = arith.constant 0 : i32
    %scan3A_12 = arith.constant 79 : i32
    %scan3A_13 = arith.addi %scan3A_11, %scan3A_12 : i32
    %scan3A_14 = arith.constant 1 : i32
    scf.for %scan3A_21 = %scan3A_11 to %scan3A_13 step %scan3A_14  : i32 {
      %mul3A_22 = arith.constant 2 : i32
      %mul3A_23 = arith.muli %mul3A_22, %scan3A_21 : i32
      %add3A = arith.constant 1 : i32
      %add3A_24 = arith.addi %mul3A_23, %add3A : i32
      %dma_start3A_25 = arith.constant 0 : i32
      %dma_start3A_26 = tpu.memref_slice %arg7[%add3A_24, %dma_start3A_25] : memref<158x128xi32, #tpu.memory_space<vmem>> -> memref<1x128xi32, #tpu.memory_space<vmem>>
      %dma_start3A_27 = tpu.memref_squeeze %dma_start3A_26 : memref<1x128xi32, #tpu.memory_space<vmem>> -> memref<128xi32, #tpu.memory_space<vmem>>
      %dma_start3A_28 = arith.constant 0 : i32
      %dma_start3A_29 = arith.constant 0 : i32
      %dma_start3A_30 = tpu.memref_slice %arg2[%arg0, %dma_start3A_28, %dma_start3A_29] : memref<2x10240x64xf32, #tpu.memory_space<hbm>> -> memref<1x10240x64xf32, #tpu.memory_space<hbm>>
      %dma_start3A_31 = tpu.memref_squeeze %dma_start3A_30 : memref<1x10240x64xf32, #tpu.memory_space<hbm>> -> memref<10240x64xf32, #tpu.memory_space<hbm>>
      %dma_start3A_32 = arith.constant 0 : i32
      %dma_start3A_33 = arith.constant 0 : i32
      %dma_start3A_34 = tpu.memref_slice %dma_start3A_31[%dma_start3A_32, %dma_start3A_33] : memref<10240x64xf32, #tpu.memory_space<hbm>> -> memref<10240x64xf32, #tpu.memory_space<hbm>>
      tpu.enqueue_indirect_dma source(%dma_start3A_34 : memref<10240x64xf32, #tpu.memory_space<hbm>>) target(%arg10 : memref<128x64xf32, #tpu.memory_space<vmem>>) offsets(%dma_start3A_27 : memref<128xi32, #tpu.memory_space<vmem>>) semaphore(%arg13 : memref<!tpu.dma_semaphore, #tpu.memory_space<semaphore_mem>>)
      %dma_wait3A = arith.constant 0 : i32
      %dma_wait3A_35 = arith.constant 0 : i32
      %dma_wait3A_36 = tpu.memref_slice %arg2[%arg0, %dma_wait3A, %dma_wait3A_35] : memref<2x10240x64xf32, #tpu.memory_space<hbm>> -> memref<1x10240x64xf32, #tpu.memory_space<hbm>>
      %dma_wait3A_37 = tpu.memref_squeeze %dma_wait3A_36 : memref<1x10240x64xf32, #tpu.memory_space<hbm>> -> memref<10240x64xf32, #tpu.memory_space<hbm>>
      %dma_wait3A_38 = arith.constant 0 : i32
      %dma_wait3A_39 = arith.constant 0 : i32
      %dma_wait3A_40 = tpu.memref_slice %dma_wait3A_37[%dma_wait3A_38, %dma_wait3A_39] : memref<10240x64xf32, #tpu.memory_space<hbm>> -> memref<128x64xf32, #tpu.memory_space<hbm>>
      %dma_wait3A_41 = arith.constant 0 : i32
      %dma_wait3A_42 = arith.constant 0 : i32
      %dma_wait3A_43 = tpu.memref_slice %arg2[%arg0, %dma_wait3A_41, %dma_wait3A_42] : memref<2x10240x64xf32, #tpu.memory_space<hbm>> -> memref<1x10240x64xf32, #tpu.memory_space<hbm>>
      %dma_wait3A_44 = tpu.memref_squeeze %dma_wait3A_43 : memref<1x10240x64xf32, #tpu.memory_space<hbm>> -> memref<10240x64xf32, #tpu.memory_space<hbm>>
      %dma_wait3A_45 = arith.constant 0 : i32
      %dma_wait3A_46 = arith.constant 0 : i32
      %dma_wait3A_47 = tpu.memref_slice %dma_wait3A_44[%dma_wait3A_45, %dma_wait3A_46] : memref<10240x64xf32, #tpu.memory_space<hbm>> -> memref<128x64xf32, #tpu.memory_space<hbm>>
      tpu.wait_dma2 semaphore(%arg12 : memref<!tpu.dma_semaphore, #tpu.memory_space<semaphore_mem>>) src(%dma_wait3A_47 : memref<128x64xf32, #tpu.memory_space<hbm>>) dst(%arg9 : memref<128x64xf32, #tpu.memory_space<vmem>>)
      "tpu.region"() ({
        %run_scoped3A = tpu.sem_alloc : memref<!tpu.dma_semaphore, #tpu.memory_space<semaphore_mem>>
        %dma_start3A_64 = arith.constant 0 : i32
        %dma_start3A_65 = tpu.memref_slice %arg8[%mul3A_23, %dma_start3A_64] : memref<158x128xi32, #tpu.memory_space<vmem>> -> memref<1x128xi32, #tpu.memory_space<vmem>>
        %dma_start3A_66 = tpu.memref_squeeze %dma_start3A_65 : memref<1x128xi32, #tpu.memory_space<vmem>> -> memref<128xi32, #tpu.memory_space<vmem>>
        %dma_start3A_67 = arith.constant 0 : i32
        %dma_start3A_68 = arith.constant 0 : i32
        %dma_start3A_69 = tpu.memref_slice %arg11[%dma_start3A_67, %dma_start3A_68] : memref<10240x64xf32, #tpu.memory_space<vmem_shared>> -> memref<10240x64xf32, #tpu.memory_space<vmem_shared>>
        tpu.enqueue_indirect_dma source(%arg9 : memref<128x64xf32, #tpu.memory_space<vmem>>) target(%dma_start3A_69 : memref<10240x64xf32, #tpu.memory_space<vmem_shared>>) offsets(%dma_start3A_66 : memref<128xi32, #tpu.memory_space<vmem>>) semaphore(%run_scoped3A : memref<!tpu.dma_semaphore, #tpu.memory_space<semaphore_mem>>) {add = true}
        %dma_wait3A_70 = arith.constant 0 : i32
        %dma_wait3A_71 = tpu.memref_slice %arg8[%mul3A_23, %dma_wait3A_70] : memref<158x128xi32, #tpu.memory_space<vmem>> -> memref<1x128xi32, #tpu.memory_space<vmem>>
        %dma_wait3A_72 = tpu.memref_squeeze %dma_wait3A_71 : memref<1x128xi32, #tpu.memory_space<vmem>> -> memref<128xi32, #tpu.memory_space<vmem>>
        %dma_wait3A_73 = arith.constant 0 : i32
        %dma_wait3A_74 = arith.constant 0 : i32
        %dma_wait3A_75 = tpu.memref_slice %arg11[%dma_wait3A_73, %dma_wait3A_74] : memref<10240x64xf32, #tpu.memory_space<vmem_shared>> -> memref<10240x64xf32, #tpu.memory_space<vmem_shared>>
        tpu.wait_indirect_dma semaphore(%run_scoped3A : memref<!tpu.dma_semaphore, #tpu.memory_space<semaphore_mem>>) src(%arg9 : memref<128x64xf32, #tpu.memory_space<vmem>>) dst(%dma_wait3A_75 : memref<10240x64xf32, #tpu.memory_space<vmem_shared>>)
        tpu.yield
      }) : () -> ()
      %lt3A = arith.constant 78 : i32
      %lt3A_48 = arith.cmpi slt, %scan3A_21, %lt3A : i32
      %convert_element_type3A = arith.extui %lt3A_48 : i1 to i32
      %cond3A = arith.constant 0 : i32
      %cond3A_49 = arith.cmpi ne, %convert_element_type3A, %cond3A : i32
      scf.if %cond3A_49 {
        %add3A_64 = arith.constant 2 : i32
        %add3A_65 = arith.addi %mul3A_23, %add3A_64 : i32
        %dma_start3A_66 = arith.constant 0 : i32
        %dma_start3A_67 = tpu.memref_slice %arg7[%add3A_65, %dma_start3A_66] : memref<158x128xi32, #tpu.memory_space<vmem>> -> memref<1x128xi32, #tpu.memory_space<vmem>>
        %dma_start3A_68 = tpu.memref_squeeze %dma_start3A_67 : memref<1x128xi32, #tpu.memory_space<vmem>> -> memref<128xi32, #tpu.memory_space<vmem>>
        %dma_start3A_69 = arith.constant 0 : i32
        %dma_start3A_70 = arith.constant 0 : i32
        %dma_start3A_71 = tpu.memref_slice %arg2[%arg0, %dma_start3A_69, %dma_start3A_70] : memref<2x10240x64xf32, #tpu.memory_space<hbm>> -> memref<1x10240x64xf32, #tpu.memory_space<hbm>>
        %dma_start3A_72 = tpu.memref_squeeze %dma_start3A_71 : memref<1x10240x64xf32, #tpu.memory_space<hbm>> -> memref<10240x64xf32, #tpu.memory_space<hbm>>
        %dma_start3A_73 = arith.constant 0 : i32
        %dma_start3A_74 = arith.constant 0 : i32
        %dma_start3A_75 = tpu.memref_slice %dma_start3A_72[%dma_start3A_73, %dma_start3A_74] : memref<10240x64xf32, #tpu.memory_space<hbm>> -> memref<10240x64xf32, #tpu.memory_space<hbm>>
        tpu.enqueue_indirect_dma source(%dma_start3A_75 : memref<10240x64xf32, #tpu.memory_space<hbm>>) target(%arg9 : memref<128x64xf32, #tpu.memory_space<vmem>>) offsets(%dma_start3A_68 : memref<128xi32, #tpu.memory_space<vmem>>) semaphore(%arg12 : memref<!tpu.dma_semaphore, #tpu.memory_space<semaphore_mem>>)
      } else {
      }
      %dma_wait3A_50 = arith.constant 0 : i32
      %dma_wait3A_51 = arith.constant 0 : i32
      %dma_wait3A_52 = tpu.memref_slice %arg2[%arg0, %dma_wait3A_50, %dma_wait3A_51] : memref<2x10240x64xf32, #tpu.memory_space<hbm>> -> memref<1x10240x64xf32, #tpu.memory_space<hbm>>
      %dma_wait3A_53 = tpu.memref_squeeze %dma_wait3A_52 : memref<1x10240x64xf32, #tpu.memory_space<hbm>> -> memref<10240x64xf32, #tpu.memory_space<hbm>>
      %dma_wait3A_54 = arith.constant 0 : i32
      %dma_wait3A_55 = arith.constant 0 : i32
      %dma_wait3A_56 = tpu.memref_slice %dma_wait3A_53[%dma_wait3A_54, %dma_wait3A_55] : memref<10240x64xf32, #tpu.memory_space<hbm>> -> memref<128x64xf32, #tpu.memory_space<hbm>>
      %dma_wait3A_57 = arith.constant 0 : i32
      %dma_wait3A_58 = arith.constant 0 : i32
      %dma_wait3A_59 = tpu.memref_slice %arg2[%arg0, %dma_wait3A_57, %dma_wait3A_58] : memref<2x10240x64xf32, #tpu.memory_space<hbm>> -> memref<1x10240x64xf32, #tpu.memory_space<hbm>>
      %dma_wait3A_60 = tpu.memref_squeeze %dma_wait3A_59 : memref<1x10240x64xf32, #tpu.memory_space<hbm>> -> memref<10240x64xf32, #tpu.memory_space<hbm>>
      %dma_wait3A_61 = arith.constant 0 : i32
      %dma_wait3A_62 = arith.constant 0 : i32
      %dma_wait3A_63 = tpu.memref_slice %dma_wait3A_60[%dma_wait3A_61, %dma_wait3A_62] : memref<10240x64xf32, #tpu.memory_space<hbm>> -> memref<128x64xf32, #tpu.memory_space<hbm>>
      tpu.wait_dma2 semaphore(%arg13 : memref<!tpu.dma_semaphore, #tpu.memory_space<semaphore_mem>>) src(%dma_wait3A_63 : memref<128x64xf32, #tpu.memory_space<hbm>>) dst(%arg10 : memref<128x64xf32, #tpu.memory_space<vmem>>)
      "tpu.region"() ({
        %run_scoped3A = tpu.sem_alloc : memref<!tpu.dma_semaphore, #tpu.memory_space<semaphore_mem>>
        %dma_start3A_64 = arith.constant 0 : i32
        %dma_start3A_65 = tpu.memref_slice %arg8[%add3A_24, %dma_start3A_64] : memref<158x128xi32, #tpu.memory_space<vmem>> -> memref<1x128xi32, #tpu.memory_space<vmem>>
        %dma_start3A_66 = tpu.memref_squeeze %dma_start3A_65 : memref<1x128xi32, #tpu.memory_space<vmem>> -> memref<128xi32, #tpu.memory_space<vmem>>
        %dma_start3A_67 = arith.constant 0 : i32
        %dma_start3A_68 = arith.constant 0 : i32
        %dma_start3A_69 = tpu.memref_slice %arg11[%dma_start3A_67, %dma_start3A_68] : memref<10240x64xf32, #tpu.memory_space<vmem_shared>> -> memref<10240x64xf32, #tpu.memory_space<vmem_shared>>
        tpu.enqueue_indirect_dma source(%arg10 : memref<128x64xf32, #tpu.memory_space<vmem>>) target(%dma_start3A_69 : memref<10240x64xf32, #tpu.memory_space<vmem_shared>>) offsets(%dma_start3A_66 : memref<128xi32, #tpu.memory_space<vmem>>) semaphore(%run_scoped3A : memref<!tpu.dma_semaphore, #tpu.memory_space<semaphore_mem>>) {add = true}
        %dma_wait3A_70 = arith.constant 0 : i32
        %dma_wait3A_71 = tpu.memref_slice %arg8[%add3A_24, %dma_wait3A_70] : memref<158x128xi32, #tpu.memory_space<vmem>> -> memref<1x128xi32, #tpu.memory_space<vmem>>
        %dma_wait3A_72 = tpu.memref_squeeze %dma_wait3A_71 : memref<1x128xi32, #tpu.memory_space<vmem>> -> memref<128xi32, #tpu.memory_space<vmem>>
        %dma_wait3A_73 = arith.constant 0 : i32
        %dma_wait3A_74 = arith.constant 0 : i32
        %dma_wait3A_75 = tpu.memref_slice %arg11[%dma_wait3A_73, %dma_wait3A_74] : memref<10240x64xf32, #tpu.memory_space<vmem_shared>> -> memref<10240x64xf32, #tpu.memory_space<vmem_shared>>
        tpu.wait_indirect_dma semaphore(%run_scoped3A : memref<!tpu.dma_semaphore, #tpu.memory_space<semaphore_mem>>) src(%arg10 : memref<128x64xf32, #tpu.memory_space<vmem>>) dst(%dma_wait3A_75 : memref<10240x64xf32, #tpu.memory_space<vmem_shared>>)
        tpu.yield
      }) : () -> ()
    }
    %scan3A_15 = arith.constant 79 : i32
    %barrier3A_16 = arith.constant 0 : index
    tpu.barrier barrier_id(%barrier3A_16)
    %mul3A_17 = arith.constant 640 : i32
    %mul3A_18 = arith.muli %arg1, %mul3A_17 : i32
    %mul3A_19 = arith.constant 640 : i32
    %mul3A_20 = arith.muli %arg1, %mul3A_19 : i32
    "tpu.region"() ({
      %run_scoped3A = tpu.sem_alloc : memref<!tpu.dma_semaphore, #tpu.memory_space<semaphore_mem>>
      %dma_start3A_21 = arith.constant 0 : i32
      %dma_start3A_22 = tpu.memref_slice %arg6[%arg0, %mul3A_20, %dma_start3A_21] : memref<2x10240x64xf32, #tpu.memory_space<hbm>> -> memref<1x640x64xf32, #tpu.memory_space<hbm>>
      %dma_start3A_23 = tpu.memref_squeeze %dma_start3A_22 : memref<1x640x64xf32, #tpu.memory_space<hbm>> -> memref<640x64xf32, #tpu.memory_space<hbm>>
      %dma_start3A_24 = arith.constant 0 : i32
      %dma_start3A_25 = tpu.memref_slice %arg11[%mul3A_18, %dma_start3A_24] : memref<10240x64xf32, #tpu.memory_space<vmem_shared>> -> memref<640x64xf32, #tpu.memory_space<vmem_shared>>
      tpu.enqueue_dma source(%dma_start3A_25 : memref<640x64xf32, #tpu.memory_space<vmem_shared>>) target(%dma_start3A_23 : memref<640x64xf32, #tpu.memory_space<hbm>>) target_semaphore(%run_scoped3A : memref<!tpu.dma_semaphore, #tpu.memory_space<semaphore_mem>>)
      %dma_wait3A = arith.constant 0 : i32
      %dma_wait3A_26 = tpu.memref_slice %arg6[%arg0, %mul3A_20, %dma_wait3A] : memref<2x10240x64xf32, #tpu.memory_space<hbm>> -> memref<1x640x64xf32, #tpu.memory_space<hbm>>
      %dma_wait3A_27 = tpu.memref_squeeze %dma_wait3A_26 : memref<1x640x64xf32, #tpu.memory_space<hbm>> -> memref<640x64xf32, #tpu.memory_space<hbm>>
      %dma_wait3A_28 = arith.constant 0 : i32
      %dma_wait3A_29 = tpu.memref_slice %arg11[%mul3A_18, %dma_wait3A_28] : memref<10240x64xf32, #tpu.memory_space<vmem_shared>> -> memref<640x64xf32, #tpu.memory_space<vmem_shared>>
      tpu.wait_dma2 semaphore(%run_scoped3A : memref<!tpu.dma_semaphore, #tpu.memory_space<semaphore_mem>>) src(%dma_wait3A_29 : memref<640x64xf32, #tpu.memory_space<vmem_shared>>) dst(%dma_wait3A_27 : memref<640x64xf32, #tpu.memory_space<hbm>>)
      tpu.yield
    }) : () -> ()
    return
  }
}

#map = affine_map<(d0, d1) -> (0, 0, 0)>
#map1 = affine_map<(d0, d1) -> (0, 0)>
module attributes {stable_mosaic.version = 14 : i64} {
  func.func @scatter_kernel(%arg0: i32, %arg1: i32, %arg2: memref<2x10240x64xf32, #tpu.memory_space<hbm>>, %arg3: memref<16x158x128xi32, #tpu.memory_space<hbm>>, %arg4: memref<16x158x128xi32, #tpu.memory_space<hbm>>, %arg5: memref<640x64xf32, #tpu.memory_space<hbm>>, %arg6: memref<2x10240x64xf32, #tpu.memory_space<hbm>>, %arg7: memref<158x128xi32, #tpu.memory_space<vmem>>, %arg8: memref<158x128xi32, #tpu.memory_space<vmem>>, %arg9: memref<128x64xf32, #tpu.memory_space<vmem>>, %arg10: memref<128x64xf32, #tpu.memory_space<vmem>>, %arg11: memref<10240x64xf32, #tpu.memory_space<vmem_shared>>, %arg12: memref<!tpu.dma_semaphore, #tpu.memory_space<semaphore_mem>>, %arg13: memref<!tpu.dma_semaphore, #tpu.memory_space<semaphore_mem>>) attributes {dimension_semantics = [#tpu.dimension_semantics<core_parallel>, #tpu.dimension_semantics<subcore_parallel>], iteration_bounds = array<i64: 2, 16>, scalar_prefetch = 0 : i64, scratch_operands = 7 : i64, tpu.core_type = #tpu.core_type<sc_vector_subcore>, window_params = [{transform_indices = #map}, {transform_indices = #map}, {transform_indices = #map}, {transform_indices = #map1}, {transform_indices = #map}]} {
    %mul3A = arith.constant 640 : i32
    %mul3A_0 = arith.muli %arg1, %mul3A : i32
    "tpu.region"() ({
      %run_scoped3A = tpu.sem_alloc : memref<!tpu.dma_semaphore, #tpu.memory_space<semaphore_mem>>
      %dma_start3A_21 = arith.constant 0 : i32
      %dma_start3A_22 = tpu.memref_slice %arg11[%mul3A_0, %dma_start3A_21] : memref<10240x64xf32, #tpu.memory_space<vmem_shared>> -> memref<640x64xf32, #tpu.memory_space<vmem_shared>>
      tpu.enqueue_dma source(%arg5 : memref<640x64xf32, #tpu.memory_space<hbm>>) target(%dma_start3A_22 : memref<640x64xf32, #tpu.memory_space<vmem_shared>>) target_semaphore(%run_scoped3A : memref<!tpu.dma_semaphore, #tpu.memory_space<semaphore_mem>>)
      %dma_wait3A = arith.constant 0 : i32
      %dma_wait3A_23 = tpu.memref_slice %arg11[%mul3A_0, %dma_wait3A] : memref<10240x64xf32, #tpu.memory_space<vmem_shared>> -> memref<640x64xf32, #tpu.memory_space<vmem_shared>>
      tpu.wait_dma2 semaphore(%run_scoped3A : memref<!tpu.dma_semaphore, #tpu.memory_space<semaphore_mem>>) src(%arg5 : memref<640x64xf32, #tpu.memory_space<hbm>>) dst(%dma_wait3A_23 : memref<640x64xf32, #tpu.memory_space<vmem_shared>>)
      tpu.yield
    }) : () -> ()
    "tpu.region"() ({
      %run_scoped3A = tpu.sem_alloc : memref<!tpu.dma_semaphore, #tpu.memory_space<semaphore_mem>>
      %dma_start3A_21 = arith.constant 0 : i32
      %dma_start3A_22 = arith.constant 0 : i32
      %dma_start3A_23 = tpu.memref_slice %arg3[%arg1, %dma_start3A_21, %dma_start3A_22] : memref<16x158x128xi32, #tpu.memory_space<hbm>> -> memref<1x158x128xi32, #tpu.memory_space<hbm>>
      %dma_start3A_24 = tpu.memref_squeeze %dma_start3A_23 : memref<1x158x128xi32, #tpu.memory_space<hbm>> -> memref<158x128xi32, #tpu.memory_space<hbm>>
      %dma_start3A_25 = arith.constant 0 : i32
      %dma_start3A_26 = arith.constant 0 : i32
      %dma_start3A_27 = tpu.memref_slice %arg3[%arg1, %dma_start3A_25, %dma_start3A_26] : memref<16x158x128xi32, #tpu.memory_space<hbm>> -> memref<1x158x128xi32, #tpu.memory_space<hbm>>
      %dma_start3A_28 = tpu.memref_squeeze %dma_start3A_27 : memref<1x158x128xi32, #tpu.memory_space<hbm>> -> memref<158x128xi32, #tpu.memory_space<hbm>>
      tpu.enqueue_dma source(%dma_start3A_28 : memref<158x128xi32, #tpu.memory_space<hbm>>) target(%arg7 : memref<158x128xi32, #tpu.memory_space<vmem>>) target_semaphore(%run_scoped3A : memref<!tpu.dma_semaphore, #tpu.memory_space<semaphore_mem>>)
      %dma_wait3A = arith.constant 0 : i32
      %dma_wait3A_29 = arith.constant 0 : i32
      %dma_wait3A_30 = tpu.memref_slice %arg3[%arg1, %dma_wait3A, %dma_wait3A_29] : memref<16x158x128xi32, #tpu.memory_space<hbm>> -> memref<1x158x128xi32, #tpu.memory_space<hbm>>
      %dma_wait3A_31 = tpu.memref_squeeze %dma_wait3A_30 : memref<1x158x128xi32, #tpu.memory_space<hbm>> -> memref<158x128xi32, #tpu.memory_space<hbm>>
      %dma_wait3A_32 = arith.constant 0 : i32
      %dma_wait3A_33 = arith.constant 0 : i32
      %dma_wait3A_34 = tpu.memref_slice %arg3[%arg1, %dma_wait3A_32, %dma_wait3A_33] : memref<16x158x128xi32, #tpu.memory_space<hbm>> -> memref<1x158x128xi32, #tpu.memory_space<hbm>>
      %dma_wait3A_35 = tpu.memref_squeeze %dma_wait3A_34 : memref<1x158x128xi32, #tpu.memory_space<hbm>> -> memref<158x128xi32, #tpu.memory_space<hbm>>
      tpu.wait_dma2 semaphore(%run_scoped3A : memref<!tpu.dma_semaphore, #tpu.memory_space<semaphore_mem>>) src(%dma_wait3A_35 : memref<158x128xi32, #tpu.memory_space<hbm>>) dst(%arg7 : memref<158x128xi32, #tpu.memory_space<vmem>>)
      tpu.yield
    }) : () -> ()
    "tpu.region"() ({
      %run_scoped3A = tpu.sem_alloc : memref<!tpu.dma_semaphore, #tpu.memory_space<semaphore_mem>>
      %dma_start3A_21 = arith.constant 0 : i32
      %dma_start3A_22 = arith.constant 0 : i32
      %dma_start3A_23 = tpu.memref_slice %arg4[%arg1, %dma_start3A_21, %dma_start3A_22] : memref<16x158x128xi32, #tpu.memory_space<hbm>> -> memref<1x158x128xi32, #tpu.memory_space<hbm>>
      %dma_start3A_24 = tpu.memref_squeeze %dma_start3A_23 : memref<1x158x128xi32, #tpu.memory_space<hbm>> -> memref<158x128xi32, #tpu.memory_space<hbm>>
      %dma_start3A_25 = arith.constant 0 : i32
      %dma_start3A_26 = arith.constant 0 : i32
      %dma_start3A_27 = tpu.memref_slice %arg4[%arg1, %dma_start3A_25, %dma_start3A_26] : memref<16x158x128xi32, #tpu.memory_space<hbm>> -> memref<1x158x128xi32, #tpu.memory_space<hbm>>
      %dma_start3A_28 = tpu.memref_squeeze %dma_start3A_27 : memref<1x158x128xi32, #tpu.memory_space<hbm>> -> memref<158x128xi32, #tpu.memory_space<hbm>>
      tpu.enqueue_dma source(%dma_start3A_28 : memref<158x128xi32, #tpu.memory_space<hbm>>) target(%arg8 : memref<158x128xi32, #tpu.memory_space<vmem>>) target_semaphore(%run_scoped3A : memref<!tpu.dma_semaphore, #tpu.memory_space<semaphore_mem>>)
      %dma_wait3A = arith.constant 0 : i32
      %dma_wait3A_29 = arith.constant 0 : i32
      %dma_wait3A_30 = tpu.memref_slice %arg4[%arg1, %dma_wait3A, %dma_wait3A_29] : memref<16x158x128xi32, #tpu.memory_space<hbm>> -> memref<1x158x128xi32, #tpu.memory_space<hbm>>
      %dma_wait3A_31 = tpu.memref_squeeze %dma_wait3A_30 : memref<1x158x128xi32, #tpu.memory_space<hbm>> -> memref<158x128xi32, #tpu.memory_space<hbm>>
      %dma_wait3A_32 = arith.constant 0 : i32
      %dma_wait3A_33 = arith.constant 0 : i32
      %dma_wait3A_34 = tpu.memref_slice %arg4[%arg1, %dma_wait3A_32, %dma_wait3A_33] : memref<16x158x128xi32, #tpu.memory_space<hbm>> -> memref<1x158x128xi32, #tpu.memory_space<hbm>>
      %dma_wait3A_35 = tpu.memref_squeeze %dma_wait3A_34 : memref<1x158x128xi32, #tpu.memory_space<hbm>> -> memref<158x128xi32, #tpu.memory_space<hbm>>
      tpu.wait_dma2 semaphore(%run_scoped3A : memref<!tpu.dma_semaphore, #tpu.memory_space<semaphore_mem>>) src(%dma_wait3A_35 : memref<158x128xi32, #tpu.memory_space<hbm>>) dst(%arg8 : memref<158x128xi32, #tpu.memory_space<vmem>>)
      tpu.yield
    }) : () -> ()
    %barrier3A = arith.constant 0 : index
    tpu.barrier barrier_id(%barrier3A)
    %dma_start3A = arith.constant 0 : i32
    %dma_start3A_1 = arith.constant 0 : i32
    %dma_start3A_2 = tpu.memref_slice %arg7[%dma_start3A, %dma_start3A_1] : memref<158x128xi32, #tpu.memory_space<vmem>> -> memref<1x128xi32, #tpu.memory_space<vmem>>
    %dma_start3A_3 = tpu.memref_squeeze %dma_start3A_2 : memref<1x128xi32, #tpu.memory_space<vmem>> -> memref<128xi32, #tpu.memory_space<vmem>>
    %dma_start3A_4 = arith.constant 0 : i32
    %dma_start3A_5 = arith.constant 0 : i32
    %dma_start3A_6 = tpu.memref_slice %arg2[%arg0, %dma_start3A_4, %dma_start3A_5] : memref<2x10240x64xf32, #tpu.memory_space<hbm>> -> memref<1x10240x64xf32, #tpu.memory_space<hbm>>
    %dma_start3A_7 = tpu.memref_squeeze %dma_start3A_6 : memref<1x10240x64xf32, #tpu.memory_space<hbm>> -> memref<10240x64xf32, #tpu.memory_space<hbm>>
    %dma_start3A_8 = arith.constant 0 : i32
    %dma_start3A_9 = arith.constant 0 : i32
    %dma_start3A_10 = tpu.memref_slice %dma_start3A_7[%dma_start3A_8, %dma_start3A_9] : memref<10240x64xf32, #tpu.memory_space<hbm>> -> memref<10240x64xf32, #tpu.memory_space<hbm>>
    tpu.enqueue_indirect_dma source(%dma_start3A_10 : memref<10240x64xf32, #tpu.memory_space<hbm>>) target(%arg9 : memref<128x64xf32, #tpu.memory_space<vmem>>) offsets(%dma_start3A_3 : memref<128xi32, #tpu.memory_space<vmem>>) semaphore(%arg12 : memref<!tpu.dma_semaphore, #tpu.memory_space<semaphore_mem>>)
    %scan3A = arith.constant 0 : i32
    %scan3A_11 = arith.constant 0 : i32
    %scan3A_12 = arith.constant 79 : i32
    %scan3A_13 = arith.addi %scan3A_11, %scan3A_12 : i32
    %scan3A_14 = arith.constant 1 : i32
    scf.for %scan3A_21 = %scan3A_11 to %scan3A_13 step %scan3A_14  : i32 {
      %mul3A_22 = arith.constant 2 : i32
      %mul3A_23 = arith.muli %mul3A_22, %scan3A_21 : i32
      %add3A = arith.constant 1 : i32
      %add3A_24 = arith.addi %mul3A_23, %add3A : i32
      %dma_start3A_25 = arith.constant 0 : i32
      %dma_start3A_26 = tpu.memref_slice %arg7[%add3A_24, %dma_start3A_25] : memref<158x128xi32, #tpu.memory_space<vmem>> -> memref<1x128xi32, #tpu.memory_space<vmem>>
      %dma_start3A_27 = tpu.memref_squeeze %dma_start3A_26 : memref<1x128xi32, #tpu.memory_space<vmem>> -> memref<128xi32, #tpu.memory_space<vmem>>
      %dma_start3A_28 = arith.constant 0 : i32
      %dma_start3A_29 = arith.constant 0 : i32
      %dma_start3A_30 = tpu.memref_slice %arg2[%arg0, %dma_start3A_28, %dma_start3A_29] : memref<2x10240x64xf32, #tpu.memory_space<hbm>> -> memref<1x10240x64xf32, #tpu.memory_space<hbm>>
      %dma_start3A_31 = tpu.memref_squeeze %dma_start3A_30 : memref<1x10240x64xf32, #tpu.memory_space<hbm>> -> memref<10240x64xf32, #tpu.memory_space<hbm>>
      %dma_start3A_32 = arith.constant 0 : i32
      %dma_start3A_33 = arith.constant 0 : i32
      %dma_start3A_34 = tpu.memref_slice %dma_start3A_31[%dma_start3A_32, %dma_start3A_33] : memref<10240x64xf32, #tpu.memory_space<hbm>> -> memref<10240x64xf32, #tpu.memory_space<hbm>>
      tpu.enqueue_indirect_dma source(%dma_start3A_34 : memref<10240x64xf32, #tpu.memory_space<hbm>>) target(%arg10 : memref<128x64xf32, #tpu.memory_space<vmem>>) offsets(%dma_start3A_27 : memref<128xi32, #tpu.memory_space<vmem>>) semaphore(%arg13 : memref<!tpu.dma_semaphore, #tpu.memory_space<semaphore_mem>>)
      %dma_wait3A = arith.constant 0 : i32
      %dma_wait3A_35 = arith.constant 0 : i32
      %dma_wait3A_36 = tpu.memref_slice %arg2[%arg0, %dma_wait3A, %dma_wait3A_35] : memref<2x10240x64xf32, #tpu.memory_space<hbm>> -> memref<1x10240x64xf32, #tpu.memory_space<hbm>>
      %dma_wait3A_37 = tpu.memref_squeeze %dma_wait3A_36 : memref<1x10240x64xf32, #tpu.memory_space<hbm>> -> memref<10240x64xf32, #tpu.memory_space<hbm>>
      %dma_wait3A_38 = arith.constant 0 : i32
      %dma_wait3A_39 = arith.constant 0 : i32
      %dma_wait3A_40 = tpu.memref_slice %dma_wait3A_37[%dma_wait3A_38, %dma_wait3A_39] : memref<10240x64xf32, #tpu.memory_space<hbm>> -> memref<128x64xf32, #tpu.memory_space<hbm>>
      %dma_wait3A_41 = arith.constant 0 : i32
      %dma_wait3A_42 = arith.constant 0 : i32
      %dma_wait3A_43 = tpu.memref_slice %arg2[%arg0, %dma_wait3A_41, %dma_wait3A_42] : memref<2x10240x64xf32, #tpu.memory_space<hbm>> -> memref<1x10240x64xf32, #tpu.memory_space<hbm>>
      %dma_wait3A_44 = tpu.memref_squeeze %dma_wait3A_43 : memref<1x10240x64xf32, #tpu.memory_space<hbm>> -> memref<10240x64xf32, #tpu.memory_space<hbm>>
      %dma_wait3A_45 = arith.constant 0 : i32
      %dma_wait3A_46 = arith.constant 0 : i32
      %dma_wait3A_47 = tpu.memref_slice %dma_wait3A_44[%dma_wait3A_45, %dma_wait3A_46] : memref<10240x64xf32, #tpu.memory_space<hbm>> -> memref<128x64xf32, #tpu.memory_space<hbm>>
      tpu.wait_dma2 semaphore(%arg12 : memref<!tpu.dma_semaphore, #tpu.memory_space<semaphore_mem>>) src(%dma_wait3A_47 : memref<128x64xf32, #tpu.memory_space<hbm>>) dst(%arg9 : memref<128x64xf32, #tpu.memory_space<vmem>>)
      "tpu.region"() ({
        %run_scoped3A = tpu.sem_alloc : memref<!tpu.dma_semaphore, #tpu.memory_space<semaphore_mem>>
        %dma_start3A_64 = arith.constant 0 : i32
        %dma_start3A_65 = tpu.memref_slice %arg8[%mul3A_23, %dma_start3A_64] : memref<158x128xi32, #tpu.memory_space<vmem>> -> memref<1x128xi32, #tpu.memory_space<vmem>>
        %dma_start3A_66 = tpu.memref_squeeze %dma_start3A_65 : memref<1x128xi32, #tpu.memory_space<vmem>> -> memref<128xi32, #tpu.memory_space<vmem>>
        %dma_start3A_67 = arith.constant 0 : i32
        %dma_start3A_68 = arith.constant 0 : i32
        %dma_start3A_69 = tpu.memref_slice %arg11[%dma_start3A_67, %dma_start3A_68] : memref<10240x64xf32, #tpu.memory_space<vmem_shared>> -> memref<10240x64xf32, #tpu.memory_space<vmem_shared>>
        tpu.enqueue_indirect_dma source(%arg9 : memref<128x64xf32, #tpu.memory_space<vmem>>) target(%dma_start3A_69 : memref<10240x64xf32, #tpu.memory_space<vmem_shared>>) offsets(%dma_start3A_66 : memref<128xi32, #tpu.memory_space<vmem>>) semaphore(%run_scoped3A : memref<!tpu.dma_semaphore, #tpu.memory_space<semaphore_mem>>) {add = true}
        %dma_wait3A_70 = arith.constant 0 : i32
        %dma_wait3A_71 = tpu.memref_slice %arg8[%mul3A_23, %dma_wait3A_70] : memref<158x128xi32, #tpu.memory_space<vmem>> -> memref<1x128xi32, #tpu.memory_space<vmem>>
        %dma_wait3A_72 = tpu.memref_squeeze %dma_wait3A_71 : memref<1x128xi32, #tpu.memory_space<vmem>> -> memref<128xi32, #tpu.memory_space<vmem>>
        %dma_wait3A_73 = arith.constant 0 : i32
        %dma_wait3A_74 = arith.constant 0 : i32
        %dma_wait3A_75 = tpu.memref_slice %arg11[%dma_wait3A_73, %dma_wait3A_74] : memref<10240x64xf32, #tpu.memory_space<vmem_shared>> -> memref<10240x64xf32, #tpu.memory_space<vmem_shared>>
        tpu.wait_indirect_dma semaphore(%run_scoped3A : memref<!tpu.dma_semaphore, #tpu.memory_space<semaphore_mem>>) src(%arg9 : memref<128x64xf32, #tpu.memory_space<vmem>>) dst(%dma_wait3A_75 : memref<10240x64xf32, #tpu.memory_space<vmem_shared>>)
        tpu.yield
      }) : () -> ()
      %lt3A = arith.constant 78 : i32
      %lt3A_48 = arith.cmpi slt, %scan3A_21, %lt3A : i32
      %convert_element_type3A = arith.extui %lt3A_48 : i1 to i32
      %cond3A = arith.constant 0 : i32
      %cond3A_49 = arith.cmpi ne, %convert_element_type3A, %cond3A : i32
      scf.if %cond3A_49 {
        %add3A_64 = arith.constant 2 : i32
        %add3A_65 = arith.addi %mul3A_23, %add3A_64 : i32
        %dma_start3A_66 = arith.constant 0 : i32
        %dma_start3A_67 = tpu.memref_slice %arg7[%add3A_65, %dma_start3A_66] : memref<158x128xi32, #tpu.memory_space<vmem>> -> memref<1x128xi32, #tpu.memory_space<vmem>>
        %dma_start3A_68 = tpu.memref_squeeze %dma_start3A_67 : memref<1x128xi32, #tpu.memory_space<vmem>> -> memref<128xi32, #tpu.memory_space<vmem>>
        %dma_start3A_69 = arith.constant 0 : i32
        %dma_start3A_70 = arith.constant 0 : i32
        %dma_start3A_71 = tpu.memref_slice %arg2[%arg0, %dma_start3A_69, %dma_start3A_70] : memref<2x10240x64xf32, #tpu.memory_space<hbm>> -> memref<1x10240x64xf32, #tpu.memory_space<hbm>>
        %dma_start3A_72 = tpu.memref_squeeze %dma_start3A_71 : memref<1x10240x64xf32, #tpu.memory_space<hbm>> -> memref<10240x64xf32, #tpu.memory_space<hbm>>
        %dma_start3A_73 = arith.constant 0 : i32
        %dma_start3A_74 = arith.constant 0 : i32
        %dma_start3A_75 = tpu.memref_slice %dma_start3A_72[%dma_start3A_73, %dma_start3A_74] : memref<10240x64xf32, #tpu.memory_space<hbm>> -> memref<10240x64xf32, #tpu.memory_space<hbm>>
        tpu.enqueue_indirect_dma source(%dma_start3A_75 : memref<10240x64xf32, #tpu.memory_space<hbm>>) target(%arg9 : memref<128x64xf32, #tpu.memory_space<vmem>>) offsets(%dma_start3A_68 : memref<128xi32, #tpu.memory_space<vmem>>) semaphore(%arg12 : memref<!tpu.dma_semaphore, #tpu.memory_space<semaphore_mem>>)
      } else {
      }
      %dma_wait3A_50 = arith.constant 0 : i32
      %dma_wait3A_51 = arith.constant 0 : i32
      %dma_wait3A_52 = tpu.memref_slice %arg2[%arg0, %dma_wait3A_50, %dma_wait3A_51] : memref<2x10240x64xf32, #tpu.memory_space<hbm>> -> memref<1x10240x64xf32, #tpu.memory_space<hbm>>
      %dma_wait3A_53 = tpu.memref_squeeze %dma_wait3A_52 : memref<1x10240x64xf32, #tpu.memory_space<hbm>> -> memref<10240x64xf32, #tpu.memory_space<hbm>>
      %dma_wait3A_54 = arith.constant 0 : i32
      %dma_wait3A_55 = arith.constant 0 : i32
      %dma_wait3A_56 = tpu.memref_slice %dma_wait3A_53[%dma_wait3A_54, %dma_wait3A_55] : memref<10240x64xf32, #tpu.memory_space<hbm>> -> memref<128x64xf32, #tpu.memory_space<hbm>>
      %dma_wait3A_57 = arith.constant 0 : i32
      %dma_wait3A_58 = arith.constant 0 : i32
      %dma_wait3A_59 = tpu.memref_slice %arg2[%arg0, %dma_wait3A_57, %dma_wait3A_58] : memref<2x10240x64xf32, #tpu.memory_space<hbm>> -> memref<1x10240x64xf32, #tpu.memory_space<hbm>>
      %dma_wait3A_60 = tpu.memref_squeeze %dma_wait3A_59 : memref<1x10240x64xf32, #tpu.memory_space<hbm>> -> memref<10240x64xf32, #tpu.memory_space<hbm>>
      %dma_wait3A_61 = arith.constant 0 : i32
      %dma_wait3A_62 = arith.constant 0 : i32
      %dma_wait3A_63 = tpu.memref_slice %dma_wait3A_60[%dma_wait3A_61, %dma_wait3A_62] : memref<10240x64xf32, #tpu.memory_space<hbm>> -> memref<128x64xf32, #tpu.memory_space<hbm>>
      tpu.wait_dma2 semaphore(%arg13 : memref<!tpu.dma_semaphore, #tpu.memory_space<semaphore_mem>>) src(%dma_wait3A_63 : memref<128x64xf32, #tpu.memory_space<hbm>>) dst(%arg10 : memref<128x64xf32, #tpu.memory_space<vmem>>)
      "tpu.region"() ({
        %run_scoped3A = tpu.sem_alloc : memref<!tpu.dma_semaphore, #tpu.memory_space<semaphore_mem>>
        %dma_start3A_64 = arith.constant 0 : i32
        %dma_start3A_65 = tpu.memref_slice %arg8[%add3A_24, %dma_start3A_64] : memref<158x128xi32, #tpu.memory_space<vmem>> -> memref<1x128xi32, #tpu.memory_space<vmem>>
        %dma_start3A_66 = tpu.memref_squeeze %dma_start3A_65 : memref<1x128xi32, #tpu.memory_space<vmem>> -> memref<128xi32, #tpu.memory_space<vmem>>
        %dma_start3A_67 = arith.constant 0 : i32
        %dma_start3A_68 = arith.constant 0 : i32
        %dma_start3A_69 = tpu.memref_slice %arg11[%dma_start3A_67, %dma_start3A_68] : memref<10240x64xf32, #tpu.memory_space<vmem_shared>> -> memref<10240x64xf32, #tpu.memory_space<vmem_shared>>
        tpu.enqueue_indirect_dma source(%arg10 : memref<128x64xf32, #tpu.memory_space<vmem>>) target(%dma_start3A_69 : memref<10240x64xf32, #tpu.memory_space<vmem_shared>>) offsets(%dma_start3A_66 : memref<128xi32, #tpu.memory_space<vmem>>) semaphore(%run_scoped3A : memref<!tpu.dma_semaphore, #tpu.memory_space<semaphore_mem>>) {add = true}
        %dma_wait3A_70 = arith.constant 0 : i32
        %dma_wait3A_71 = tpu.memref_slice %arg8[%add3A_24, %dma_wait3A_70] : memref<158x128xi32, #tpu.memory_space<vmem>> -> memref<1x128xi32, #tpu.memory_space<vmem>>
        %dma_wait3A_72 = tpu.memref_squeeze %dma_wait3A_71 : memref<1x128xi32, #tpu.memory_space<vmem>> -> memref<128xi32, #tpu.memory_space<vmem>>
        %dma_wait3A_73 = arith.constant 0 : i32
        %dma_wait3A_74 = arith.constant 0 : i32
        %dma_wait3A_75 = tpu.memref_slice %arg11[%dma_wait3A_73, %dma_wait3A_74] : memref<10240x64xf32, #tpu.memory_space<vmem_shared>> -> memref<10240x64xf32, #tpu.memory_space<vmem_shared>>
        tpu.wait_indirect_dma semaphore(%run_scoped3A : memref<!tpu.dma_semaphore, #tpu.memory_space<semaphore_mem>>) src(%arg10 : memref<128x64xf32, #tpu.memory_space<vmem>>) dst(%dma_wait3A_75 : memref<10240x64xf32, #tpu.memory_space<vmem_shared>>)
        tpu.yield
      }) : () -> ()
    }
    %scan3A_15 = arith.constant 79 : i32
    %barrier3A_16 = arith.constant 0 : index
    tpu.barrier barrier_id(%barrier3A_16)
    %mul3A_17 = arith.constant 640 : i32
    %mul3A_18 = arith.muli %arg1, %mul3A_17 : i32
    %mul3A_19 = arith.constant 640 : i32
    %mul3A_20 = arith.muli %arg1, %mul3A_19 : i32
    "tpu.region"() ({
      %run_scoped3A = tpu.sem_alloc : memref<!tpu.dma_semaphore, #tpu.memory_space<semaphore_mem>>
      %dma_start3A_21 = arith.constant 0 : i32
      %dma_start3A_22 = tpu.memref_slice %arg6[%arg0, %mul3A_20, %dma_start3A_21] : memref<2x10240x64xf32, #tpu.memory_space<hbm>> -> memref<1x640x64xf32, #tpu.memory_space<hbm>>
      %dma_start3A_23 = tpu.memref_squeeze %dma_start3A_22 : memref<1x640x64xf32, #tpu.memory_space<hbm>> -> memref<640x64xf32, #tpu.memory_space<hbm>>
      %dma_start3A_24 = arith.constant 0 : i32
      %dma_start3A_25 = tpu.memref_slice %arg11[%mul3A_18, %dma_start3A_24] : memref<10240x64xf32, #tpu.memory_space<vmem_shared>> -> memref<640x64xf32, #tpu.memory_space<vmem_shared>>
      tpu.enqueue_dma source(%dma_start3A_25 : memref<640x64xf32, #tpu.memory_space<vmem_shared>>) target(%dma_start3A_23 : memref<640x64xf32, #tpu.memory_space<hbm>>) target_semaphore(%run_scoped3A : memref<!tpu.dma_semaphore, #tpu.memory_space<semaphore_mem>>)
      %dma_wait3A = arith.constant 0 : i32
      %dma_wait3A_26 = tpu.memref_slice %arg6[%arg0, %mul3A_20, %dma_wait3A] : memref<2x10240x64xf32, #tpu.memory_space<hbm>> -> memref<1x640x64xf32, #tpu.memory_space<hbm>>
      %dma_wait3A_27 = tpu.memref_squeeze %dma_wait3A_26 : memref<1x640x64xf32, #tpu.memory_space<hbm>> -> memref<640x64xf32, #tpu.memory_space<hbm>>
      %dma_wait3A_28 = arith.constant 0 : i32
      %dma_wait3A_29 = tpu.memref_slice %arg11[%mul3A_18, %dma_wait3A_28] : memref<10240x64xf32, #tpu.memory_space<vmem_shared>> -> memref<640x64xf32, #tpu.memory_space<vmem_shared>>
      tpu.wait_dma2 semaphore(%run_scoped3A : memref<!tpu.dma_semaphore, #tpu.memory_space<semaphore_mem>>) src(%dma_wait3A_29 : memref<640x64xf32, #tpu.memory_space<vmem_shared>>) dst(%dma_wait3A_27 : memref<640x64xf32, #tpu.memory_space<hbm>>)
      tpu.yield
    }) : () -> ()
    return
  }
}

module attributes {stable_mosaic.version = 14 : i64} {
  func.func @body(%arg0: i32, %arg1: memref<2x1024x1xf32, #tpu.memory_space<vmem>>, %arg2: memref<1024x128xf32, #tpu.memory_space<vmem>>, %arg3: memref<128x128xf32, #tpu.memory_space<vmem>>, %arg4: memref<1024x1xf32, #tpu.memory_space<vmem>>, %arg5: memref<2x1024x64xf32, #tpu.memory_space<vmem>>) attributes {dimension_semantics = [#tpu.dimension_semantics<arbitrary>], iteration_bounds = array<i64: 10>, scalar_prefetch = 0 : i64, scratch_operands = 0 : i64, tpu.core_type = #tpu.core_type<tc>, window_params = [{transform_indices = @transform_0, window_bounds = array<i64: 2, 1024, 1>}, {transform_indices = @transform_1, window_bounds = array<i64: 1024, 128>}, {pipeline_mode = #tpu.pipeline_mode<synchronous>, transform_indices = @transform_2, window_bounds = array<i64: 128, 128>}, {transform_indices = @transform_3, window_bounds = array<i64: 1024, 1>}, {transform_indices = @transform_4, window_bounds = array<i64: 2, 1024, 64>}]} {
    %get3A = arith.constant 0 : index
    %get3A_0 = arith.constant 0 : index
    %get3A_1 = arith.constant 0 : index
    %get3A_2 = vector.load %arg1[%get3A, %get3A_0, %get3A_1] : memref<2x1024x1xf32, #tpu.memory_space<vmem>>, vector<1x1024x1xf32>
    %get3A_3 = vector.shape_cast %get3A_2 : vector<1x1024x1xf32> to vector<1024x1xf32>
    %get3A_4 = arith.constant 1 : index
    %get3A_5 = arith.constant 0 : index
    %get3A_6 = arith.constant 0 : index
    %get3A_7 = vector.load %arg1[%get3A_4, %get3A_5, %get3A_6] : memref<2x1024x1xf32, #tpu.memory_space<vmem>>, vector<1x1024x1xf32>
    %get3A_8 = vector.shape_cast %get3A_7 : vector<1x1024x1xf32> to vector<1024x1xf32>
    %add3A = arith.addf %get3A_3, %get3A_8 : vector<1024x1xf32>
    %add3A_9 = arith.constant 1.000000e+00 : f32
    %add3A_10 = vector.broadcast %add3A_9 : f32 to vector<1024x1xf32>
    %add3A_11 = arith.addf %add3A, %add3A_10 : vector<1024x1xf32>
    %iota3A = tpu.iota {dimensions = array<i32: 0>} : vector<1024x1xi32>
    %mul3A = arith.constant 1024 : i32
    %mul3A_12 = arith.muli %arg0, %mul3A : i32
    %add3A_13 = vector.broadcast %mul3A_12 : i32 to vector<1024x1xi32>
    %add3A_14 = arith.addi %iota3A, %add3A_13 : vector<1024x1xi32>
    %lt3A = arith.constant 10000 : i32
    %lt3A_15 = vector.broadcast %lt3A : i32 to vector<1024x1xi32>
    %lt3A_16 = arith.cmpi slt, %add3A_14, %lt3A_15 : vector<1024x1xi32>
    %rsqrt3A = math.rsqrt %add3A_11 : vector<1024x1xf32>
    %jit3A = arith.constant 0.000000e+00 : f32
    %broadcast_in_dim3A = vector.broadcast %jit3A : f32 to vector<1024x1xf32>
    %select_n3A = arith.select %lt3A_16, %rsqrt3A, %broadcast_in_dim3A : vector<1024x1xi1>, vector<1024x1xf32>
    %swap3A = arith.constant 0 : index
    %swap3A_17 = arith.constant 0 : index
    %swap3A_18 = vector.load %arg4[%swap3A, %swap3A_17] : memref<1024x1xf32, #tpu.memory_space<vmem>>, vector<1024x1xf32>
    tpu.vector_store %arg4[%swap3A, %swap3A_17], %select_n3A {strides = array<i32>} : memref<1024x1xf32, #tpu.memory_space<vmem>>, vector<1024x1xf32>,
    %get3A_19 = arith.constant 0 : index
    %get3A_20 = arith.constant 0 : index
    %get3A_21 = vector.load %arg2[%get3A_19, %get3A_20] : memref<1024x128xf32, #tpu.memory_space<vmem>>, vector<1024x128xf32>
    %get3A_22 = arith.constant 0 : index
    %get3A_23 = arith.constant 0 : index
    %get3A_24 = vector.load %arg3[%get3A_22, %get3A_23] : memref<128x128xf32, #tpu.memory_space<vmem>>, vector<128x128xf32>
    %dot_general3A = arith.constant dense<0.000000e+00> : vector<1024x128xf32>
    %dot_general3A_25 = tpu.matmul %get3A_21, %get3A_24, %dot_general3A {dimension_numbers = #tpu.dot_dimension_numbers<[1], [0], [0], [1], [0, 0, 1, 1], [], []>, transpose_lhs_hint = false} : vector<1024x128xf32>, vector<128x128xf32>, vector<1024x128xf32> -> vector<1024x128xf32>
    %mul3A_26 = vector.broadcast %select_n3A : vector<1024x1xf32> to vector<1024x128xf32>
    %mul3A_27 = arith.mulf %dot_general3A_25, %mul3A_26 : vector<1024x128xf32>
    %slice3A = vector.extract_strided_slice %mul3A_27 {offsets = [0, 0], sizes = [1024, 64], strides = [1, 1]} : vector<1024x128xf32> to vector<1024x64xf32>
    %swap3A_28 = arith.constant 0 : index
    %swap3A_29 = arith.constant 0 : index
    %swap3A_30 = arith.constant 0 : index
    %swap3A_31 = vector.load %arg5[%swap3A_28, %swap3A_29, %swap3A_30] : memref<2x1024x64xf32, #tpu.memory_space<vmem>>, vector<1x1024x64xf32>
    %swap3A_32 = vector.shape_cast %swap3A_31 : vector<1x1024x64xf32> to vector<1024x64xf32>
    %swap3A_33 = vector.shape_cast %slice3A : vector<1024x64xf32> to vector<1x1024x64xf32>
    tpu.vector_store %arg5[%swap3A_28, %swap3A_29, %swap3A_30], %swap3A_33 {strides = array<i32>} : memref<2x1024x64xf32, #tpu.memory_space<vmem>>, vector<1x1024x64xf32>,
    %slice3A_34 = vector.extract_strided_slice %mul3A_27 {offsets = [0, 64], sizes = [1024, 64], strides = [1, 1]} : vector<1024x128xf32> to vector<1024x64xf32>
    %swap3A_35 = arith.constant 1 : index
    %swap3A_36 = arith.constant 0 : index
    %swap3A_37 = arith.constant 0 : index
    %swap3A_38 = vector.load %arg5[%swap3A_35, %swap3A_36, %swap3A_37] : memref<2x1024x64xf32, #tpu.memory_space<vmem>>, vector<1x1024x64xf32>
    %swap3A_39 = vector.shape_cast %swap3A_38 : vector<1x1024x64xf32> to vector<1024x64xf32>
    %swap3A_40 = vector.shape_cast %slice3A_34 : vector<1024x64xf32> to vector<1x1024x64xf32>
    tpu.vector_store %arg5[%swap3A_35, %swap3A_36, %swap3A_37], %swap3A_40 {strides = array<i32>} : memref<2x1024x64xf32, #tpu.memory_space<vmem>>, vector<1x1024x64xf32>,
    return
  }
  func.func @transform_0(%arg0: i32) -> (i32, i32, i32) {
    %c0_i32 = arith.constant 0 : i32
    %c0_i32_0 = arith.constant 0 : i32
    %c0_i32_1 = arith.constant 0 : i32
    return %c0_i32, %arg0, %c0_i32_0 : i32, i32, i32
  }
  func.func @transform_1(%arg0: i32) -> (i32, i32) {
    %c0_i32 = arith.constant 0 : i32
    %c0_i32_0 = arith.constant 0 : i32
    return %arg0, %c0_i32 : i32, i32
  }
  func.func @transform_2(%arg0: i32) -> (i32, i32) {
    %c0_i32 = arith.constant 0 : i32
    %c0_i32_0 = arith.constant 0 : i32
    %c0_i32_1 = arith.constant 0 : i32
    return %c0_i32, %c0_i32_0 : i32, i32
  }
  func.func @transform_3(%arg0: i32) -> (i32, i32) {
    %c0_i32 = arith.constant 0 : i32
    %c0_i32_0 = arith.constant 0 : i32
    return %arg0, %c0_i32 : i32, i32
  }
  func.func @transform_4(%arg0: i32) -> (i32, i32, i32) {
    %c0_i32 = arith.constant 0 : i32
    %c0_i32_0 = arith.constant 0 : i32
    %c0_i32_1 = arith.constant 0 : i32
    return %c0_i32, %arg0, %c0_i32_0 : i32, i32, i32
  }
}

module attributes {stable_mosaic.version = 14 : i64} {
  func.func @body(%arg0: i32, %arg1: memref<2x1024x64xf32, #tpu.memory_space<vmem>>, %arg2: memref<2x1024x64xf32, #tpu.memory_space<vmem>>, %arg3: memref<1024x1xf32, #tpu.memory_space<vmem>>, %arg4: memref<128x128xf32, #tpu.memory_space<vmem>>, %arg5: memref<1x128xf32, #tpu.memory_space<vmem>>, %arg6: memref<2x1024x64xf32, #tpu.memory_space<vmem>>) attributes {dimension_semantics = [#tpu.dimension_semantics<arbitrary>], iteration_bounds = array<i64: 10>, scalar_prefetch = 0 : i64, scratch_operands = 0 : i64, tpu.core_type = #tpu.core_type<tc>, window_params = [{transform_indices = @transform_0, window_bounds = array<i64: 2, 1024, 64>}, {transform_indices = @transform_1, window_bounds = array<i64: 2, 1024, 64>}, {transform_indices = @transform_2, window_bounds = array<i64: 1024, 1>}, {pipeline_mode = #tpu.pipeline_mode<synchronous>, transform_indices = @transform_3, window_bounds = array<i64: 128, 128>}, {pipeline_mode = #tpu.pipeline_mode<synchronous>, transform_indices = @transform_4, window_bounds = array<i64: 1, 128>}, {transform_indices = @transform_5, window_bounds = array<i64: 2, 1024, 64>}]} {
    %get3A = arith.constant 0 : index
    %get3A_0 = arith.constant 0 : index
    %get3A_1 = vector.load %arg3[%get3A, %get3A_0] : memref<1024x1xf32, #tpu.memory_space<vmem>>, vector<1024x1xf32>
    %get3A_2 = arith.constant 0 : index
    %get3A_3 = arith.constant 0 : index
    %get3A_4 = arith.constant 0 : index
    %get3A_5 = vector.load %arg1[%get3A_2, %get3A_3, %get3A_4] : memref<2x1024x64xf32, #tpu.memory_space<vmem>>, vector<1x1024x64xf32>
    %get3A_6 = vector.shape_cast %get3A_5 : vector<1x1024x64xf32> to vector<1024x64xf32>
    %get3A_7 = arith.constant 0 : index
    %get3A_8 = arith.constant 0 : index
    %get3A_9 = arith.constant 0 : index
    %get3A_10 = vector.load %arg2[%get3A_7, %get3A_8, %get3A_9] : memref<2x1024x64xf32, #tpu.memory_space<vmem>>, vector<1x1024x64xf32>
    %get3A_11 = vector.shape_cast %get3A_10 : vector<1x1024x64xf32> to vector<1024x64xf32>
    %add3A = arith.addf %get3A_6, %get3A_11 : vector<1024x64xf32>
    %get3A_12 = arith.constant 1 : index
    %get3A_13 = arith.constant 0 : index
    %get3A_14 = arith.constant 0 : index
    %get3A_15 = vector.load %arg1[%get3A_12, %get3A_13, %get3A_14] : memref<2x1024x64xf32, #tpu.memory_space<vmem>>, vector<1x1024x64xf32>
    %get3A_16 = vector.shape_cast %get3A_15 : vector<1x1024x64xf32> to vector<1024x64xf32>
    %get3A_17 = arith.constant 1 : index
    %get3A_18 = arith.constant 0 : index
    %get3A_19 = arith.constant 0 : index
    %get3A_20 = vector.load %arg2[%get3A_17, %get3A_18, %get3A_19] : memref<2x1024x64xf32, #tpu.memory_space<vmem>>, vector<1x1024x64xf32>
    %get3A_21 = vector.shape_cast %get3A_20 : vector<1x1024x64xf32> to vector<1024x64xf32>
    %add3A_22 = arith.addf %get3A_16, %get3A_21 : vector<1024x64xf32>
    %concatenate3A = tpu.concatenate %add3A, %add3A_22 in 1 : vector<1024x64xf32>, vector<1024x64xf32> -> vector<1024x128xf32>
    %mul3A = vector.broadcast %get3A_1 : vector<1024x1xf32> to vector<1024x128xf32>
    %mul3A_23 = arith.mulf %concatenate3A, %mul3A : vector<1024x128xf32>
    %get3A_24 = arith.constant 0 : index
    %get3A_25 = arith.constant 0 : index
    %get3A_26 = vector.load %arg5[%get3A_24, %get3A_25] : memref<1x128xf32, #tpu.memory_space<vmem>>, vector<1x128xf32>
    %add3A_27 = vector.broadcast %get3A_26 : vector<1x128xf32> to vector<1024x128xf32>
    %add3A_28 = arith.addf %mul3A_23, %add3A_27 : vector<1024x128xf32>
    %get3A_29 = arith.constant 0 : index
    %get3A_30 = arith.constant 0 : index
    %get3A_31 = vector.load %arg4[%get3A_29, %get3A_30] : memref<128x128xf32, #tpu.memory_space<vmem>>, vector<128x128xf32>
    %dot_general3A = arith.constant dense<0.000000e+00> : vector<1024x128xf32>
    %dot_general3A_32 = tpu.matmul %add3A_28, %get3A_31, %dot_general3A {dimension_numbers = #tpu.dot_dimension_numbers<[1], [0], [0], [1], [0, 0, 1, 1], [], []>, transpose_lhs_hint = false} : vector<1024x128xf32>, vector<128x128xf32>, vector<1024x128xf32> -> vector<1024x128xf32>
    %mul3A_33 = vector.broadcast %get3A_1 : vector<1024x1xf32> to vector<1024x128xf32>
    %mul3A_34 = arith.mulf %dot_general3A_32, %mul3A_33 : vector<1024x128xf32>
    %slice3A = vector.extract_strided_slice %mul3A_34 {offsets = [0, 0], sizes = [1024, 64], strides = [1, 1]} : vector<1024x128xf32> to vector<1024x64xf32>
    %swap3A = arith.constant 0 : index
    %swap3A_35 = arith.constant 0 : index
    %swap3A_36 = arith.constant 0 : index
    %swap3A_37 = vector.load %arg6[%swap3A, %swap3A_35, %swap3A_36] : memref<2x1024x64xf32, #tpu.memory_space<vmem>>, vector<1x1024x64xf32>
    %swap3A_38 = vector.shape_cast %swap3A_37 : vector<1x1024x64xf32> to vector<1024x64xf32>
    %swap3A_39 = vector.shape_cast %slice3A : vector<1024x64xf32> to vector<1x1024x64xf32>
    tpu.vector_store %arg6[%swap3A, %swap3A_35, %swap3A_36], %swap3A_39 {strides = array<i32>} : memref<2x1024x64xf32, #tpu.memory_space<vmem>>, vector<1x1024x64xf32>,
    %slice3A_40 = vector.extract_strided_slice %mul3A_34 {offsets = [0, 64], sizes = [1024, 64], strides = [1, 1]} : vector<1024x128xf32> to vector<1024x64xf32>
    %swap3A_41 = arith.constant 1 : index
    %swap3A_42 = arith.constant 0 : index
    %swap3A_43 = arith.constant 0 : index
    %swap3A_44 = vector.load %arg6[%swap3A_41, %swap3A_42, %swap3A_43] : memref<2x1024x64xf32, #tpu.memory_space<vmem>>, vector<1x1024x64xf32>
    %swap3A_45 = vector.shape_cast %swap3A_44 : vector<1x1024x64xf32> to vector<1024x64xf32>
    %swap3A_46 = vector.shape_cast %slice3A_40 : vector<1024x64xf32> to vector<1x1024x64xf32>
    tpu.vector_store %arg6[%swap3A_41, %swap3A_42, %swap3A_43], %swap3A_46 {strides = array<i32>} : memref<2x1024x64xf32, #tpu.memory_space<vmem>>, vector<1x1024x64xf32>,
    return
  }
  func.func @transform_0(%arg0: i32) -> (i32, i32, i32) {
    %c0_i32 = arith.constant 0 : i32
    %c0_i32_0 = arith.constant 0 : i32
    %c0_i32_1 = arith.constant 0 : i32
    return %c0_i32, %arg0, %c0_i32_0 : i32, i32, i32
  }
  func.func @transform_1(%arg0: i32) -> (i32, i32, i32) {
    %c0_i32 = arith.constant 0 : i32
    %c0_i32_0 = arith.constant 0 : i32
    %c0_i32_1 = arith.constant 0 : i32
    return %c0_i32, %arg0, %c0_i32_0 : i32, i32, i32
  }
  func.func @transform_2(%arg0: i32) -> (i32, i32) {
    %c0_i32 = arith.constant 0 : i32
    %c0_i32_0 = arith.constant 0 : i32
    return %arg0, %c0_i32 : i32, i32
  }
  func.func @transform_3(%arg0: i32) -> (i32, i32) {
    %c0_i32 = arith.constant 0 : i32
    %c0_i32_0 = arith.constant 0 : i32
    %c0_i32_1 = arith.constant 0 : i32
    return %c0_i32, %c0_i32_0 : i32, i32
  }
  func.func @transform_4(%arg0: i32) -> (i32, i32) {
    %c0_i32 = arith.constant 0 : i32
    %c0_i32_0 = arith.constant 0 : i32
    %c0_i32_1 = arith.constant 0 : i32
    return %c0_i32, %c0_i32_0 : i32, i32
  }
  func.func @transform_5(%arg0: i32) -> (i32, i32, i32) {
    %c0_i32 = arith.constant 0 : i32
    %c0_i32_0 = arith.constant 0 : i32
    %c0_i32_1 = arith.constant 0 : i32
    return %c0_i32, %arg0, %c0_i32_0 : i32, i32, i32
  }
}

module attributes {stable_mosaic.version = 14 : i64} {
  func.func @body(%arg0: i32, %arg1: memref<2x1000x64xf32, #tpu.memory_space<vmem>>, %arg2: memref<2x1000x64xf32, #tpu.memory_space<vmem>>, %arg3: memref<1000x1xf32, #tpu.memory_space<vmem>>, %arg4: memref<1x128xf32, #tpu.memory_space<vmem>>, %arg5: memref<1000x128xf32, #tpu.memory_space<vmem>>) attributes {dimension_semantics = [#tpu.dimension_semantics<arbitrary>], iteration_bounds = array<i64: 10>, scalar_prefetch = 0 : i64, scratch_operands = 0 : i64, tpu.core_type = #tpu.core_type<tc>, window_params = [{transform_indices = @transform_0, window_bounds = array<i64: 2, 1000, 64>}, {transform_indices = @transform_1, window_bounds = array<i64: 2, 1000, 64>}, {transform_indices = @transform_2, window_bounds = array<i64: 1000, 1>}, {pipeline_mode = #tpu.pipeline_mode<synchronous>, transform_indices = @transform_3, window_bounds = array<i64: 1, 128>}, {transform_indices = @transform_4, window_bounds = array<i64: 1000, 128>}]} {
    %get3A = arith.constant 0 : index
    %get3A_0 = arith.constant 0 : index
    %get3A_1 = arith.constant 0 : index
    %get3A_2 = vector.load %arg1[%get3A, %get3A_0, %get3A_1] : memref<2x1000x64xf32, #tpu.memory_space<vmem>>, vector<1x1000x64xf32>
    %get3A_3 = vector.shape_cast %get3A_2 : vector<1x1000x64xf32> to vector<1000x64xf32>
    %get3A_4 = arith.constant 0 : index
    %get3A_5 = arith.constant 0 : index
    %get3A_6 = arith.constant 0 : index
    %get3A_7 = vector.load %arg2[%get3A_4, %get3A_5, %get3A_6] : memref<2x1000x64xf32, #tpu.memory_space<vmem>>, vector<1x1000x64xf32>
    %get3A_8 = vector.shape_cast %get3A_7 : vector<1x1000x64xf32> to vector<1000x64xf32>
    %add3A = arith.addf %get3A_3, %get3A_8 : vector<1000x64xf32>
    %get3A_9 = arith.constant 1 : index
    %get3A_10 = arith.constant 0 : index
    %get3A_11 = arith.constant 0 : index
    %get3A_12 = vector.load %arg1[%get3A_9, %get3A_10, %get3A_11] : memref<2x1000x64xf32, #tpu.memory_space<vmem>>, vector<1x1000x64xf32>
    %get3A_13 = vector.shape_cast %get3A_12 : vector<1x1000x64xf32> to vector<1000x64xf32>
    %get3A_14 = arith.constant 1 : index
    %get3A_15 = arith.constant 0 : index
    %get3A_16 = arith.constant 0 : index
    %get3A_17 = vector.load %arg2[%get3A_14, %get3A_15, %get3A_16] : memref<2x1000x64xf32, #tpu.memory_space<vmem>>, vector<1x1000x64xf32>
    %get3A_18 = vector.shape_cast %get3A_17 : vector<1x1000x64xf32> to vector<1000x64xf32>
    %add3A_19 = arith.addf %get3A_13, %get3A_18 : vector<1000x64xf32>
    %concatenate3A = tpu.concatenate %add3A, %add3A_19 in 1 : vector<1000x64xf32>, vector<1000x64xf32> -> vector<1000x128xf32>
    %get3A_20 = arith.constant 0 : index
    %get3A_21 = arith.constant 0 : index
    %get3A_22 = vector.load %arg3[%get3A_20, %get3A_21] : memref<1000x1xf32, #tpu.memory_space<vmem>>, vector<1000x1xf32>
    %mul3A = vector.broadcast %get3A_22 : vector<1000x1xf32> to vector<1000x128xf32>
    %mul3A_23 = arith.mulf %concatenate3A, %mul3A : vector<1000x128xf32>
    %get3A_24 = arith.constant 0 : index
    %get3A_25 = arith.constant 0 : index
    %get3A_26 = vector.load %arg4[%get3A_24, %get3A_25] : memref<1x128xf32, #tpu.memory_space<vmem>>, vector<1x128xf32>
    %add3A_27 = vector.broadcast %get3A_26 : vector<1x128xf32> to vector<1000x128xf32>
    %add3A_28 = arith.addf %mul3A_23, %add3A_27 : vector<1000x128xf32>
    %swap3A = arith.constant 0 : index
    %swap3A_29 = arith.constant 0 : index
    %swap3A_30 = vector.load %arg5[%swap3A, %swap3A_29] : memref<1000x128xf32, #tpu.memory_space<vmem>>, vector<1000x128xf32>
    tpu.vector_store %arg5[%swap3A, %swap3A_29], %add3A_28 {strides = array<i32>} : memref<1000x128xf32, #tpu.memory_space<vmem>>, vector<1000x128xf32>,
    return
  }
  func.func @transform_0(%arg0: i32) -> (i32, i32, i32) {
    %c0_i32 = arith.constant 0 : i32
    %c0_i32_0 = arith.constant 0 : i32
    %c0_i32_1 = arith.constant 0 : i32
    return %c0_i32, %arg0, %c0_i32_0 : i32, i32, i32
  }
  func.func @transform_1(%arg0: i32) -> (i32, i32, i32) {
    %c0_i32 = arith.constant 0 : i32
    %c0_i32_0 = arith.constant 0 : i32
    %c0_i32_1 = arith.constant 0 : i32
    return %c0_i32, %arg0, %c0_i32_0 : i32, i32, i32
  }
  func.func @transform_2(%arg0: i32) -> (i32, i32) {
    %c0_i32 = arith.constant 0 : i32
    %c0_i32_0 = arith.constant 0 : i32
    return %arg0, %c0_i32 : i32, i32
  }
  func.func @transform_3(%arg0: i32) -> (i32, i32) {
    %c0_i32 = arith.constant 0 : i32
    %c0_i32_0 = arith.constant 0 : i32
    %c0_i32_1 = arith.constant 0 : i32
    return %c0_i32, %c0_i32_0 : i32, i32
  }
  func.func @transform_4(%arg0: i32) -> (i32, i32) {
    %c0_i32 = arith.constant 0 : i32
    %c0_i32_0 = arith.constant 0 : i32
    return %arg0, %c0_i32 : i32, i32
  }
}

</mosaic_0001>

<sc_bundles>
// kernel: kernel.11.cloned.1.call-start
scs
__scs_entry_jumppad:
0x0: {  	(pc) =	sbr.rel $0x88, $3  }
0x1: {  	(tag) =	ssettag $0x0;
	lr =	simm.s32 $0x1  }
0x2: {  	[smem:$0x3F9D] =	sst lr;
	_ =	strace $0xD0000000  }
0x3: {  	_ = 	snop  }
0x4: {  	_ = 	snop  }
0x5: {  	_ = 	snop  }
0x6: {  	_ = 	snop  }
0x7: {  	_ = 	snop  }
__scs_overlays_trampoline_lowered:
0x8: {  	[smem:$0x3FAC] =	sst s0  }
0x9: {  	[smem:$0x3FAD] =	sst s1  }
0xa: {  	[smem:$0x3FAE] =	sst s2  }
0xb: {  	[smem:$0x3FAF] =	sst s3  }
0xc: {  	[smem:$0x3FB0] =	sst s4  }
0xd: {  	[smem:$0x3FB1] =	sst s5  }
0xe: {  	[smem:$0x3FB2] =	sst s6  }
0xf: {  	[smem:$0x3FB3] =	sst s7  }
0x10: {  	[smem:$0x3FB4] =	sst s8  }
0x11: {  	[smem:$0x3FB5] =	sst s9;
	s0 =	simm.s32 @!p0 $0x0  }
0x12: {  	s1 =	sld [smem:$0x3F9B];
	s0 =	simm.s32 @p0 $0x1  }
0x13: {  	[smem:$0x3FB6] =	sst s0;
	s0 =	simm.s32 @!p1 $0x0  }
0x14: {  	s2 =	sld [smem:$0x3F9A];
	s0 =	simm.s32 @p1 $0x1  }
0x15: {  	[smem:$0x3FB7] =	sst s0;
	s0 =	simm.s32 @!p2 $0x0  }
0x16: {  	s3 =	sld [smem:$0x3FDB];
	s0 =	simm.s32 @p2 $0x1  }
0x17: {  	s4 =	simm.s32 $0x1BF5;
	[smem:$0x3FB9] =	sst s0  }
0x18: {  	s0 =	sld [smem:$0x3F9C];
	_ =	swait.ge [sflag:s4], $0x0  }
0x19: {  	s7 =	sld [smem:$0x3F9D]  }
0x1a: {  	s8 =	sadd.s32 $0xFFFFE003, lr  }
0x1b: {  	s9 =	sadd.s32 $0xFFFFFEF7, lr;
	s5 =	simm.s32 $0xFFFFFFFF;
	p2 =	slt.u32 s8, $0xFFFFF086  }
0x1c: {  	p1 =	slt.u32 s9, $0xF7A;
	s5 =	simm.s32 @!p2 $0x0  }
0x1d: {  	s5 =	simm.s32 @p1 $0x1;
	p0 =	seq.s32 s7, s2  }
0x1e: {  	s7 =	smul.u32 @!p0 $0xF7A, s2;
	p2 =	seq.s32 @!p0 s5, $0x0  }
0x1f: {  	s9 =	smul.u32 $0xF7A, s1;
	s8 =	simm.s32 @!p0 $0x1BF5;
	p2 =	por !p2, p0  }
0x20: {  	[sflag:s8] =	ssyncset.s32 @!p0 $0xFFFFF086;
	s6 =	sadd.s32 @!p0 s3, s7;
	s7 =	simm.s32 @!p0 $0x108  }
0x21: {  	s3 =	sadd.s32 s3, s9;
	s6 =	sadd.s32 @!p0 $0x88, s6;
	s7 =	simm.s32 @p2 $0x1082  }
0x22: {  	[simem:s7], [sflag:s8] =	dma.local @!p0 [hbm:s6], $0xF7A  }
0x23: {  	s9 =	sor.u32 $0xD0000000, s2;
	s6 =	simm.s32 $0x108;
	_ =	swait.ge @!p0 [sflag:s8], $0x0  }
0x24: {  	s3 =	sadd.s32 $0x88, s3;
	s6 =	simm.s32 @!p1 $0x1082;
	[sflag:s4] =	ssyncset.s32 $0xFFFFF086  }
0x25: {  	[simem:s6], [sflag:s4] =	dma.local [hbm:s3], $0xF7A  }
0x26: {  	[smem:$0x3F9D] =	sst s1;
	(tag) =	ssettag s2;
	_ =	strace s9  }
0x27: {  	s1 =	sld [smem:$0x3FAD]  }
0x28: {  	s2 =	sld [smem:$0x3FAE]  }
0x29: {  	s4 =	sld [smem:$0x3FB0]  }
0x2a: {  	p0 =	seq.s32 s5, $0x0;
	s5 =	sld [smem:$0x3FB1]  }
0x2b: {  	s6 =	sld [smem:$0x3FB2]  }
0x2c: {  	s7 =	sld [smem:$0x3FB3]  }
0x2d: {  	s3 =	simm.s32 $0x108;
	s8 =	sld [smem:$0x3FB4]  }
0x2e: {  	s3 =	simm.s32 @!p0 $0x1082;
	s9 =	sld [smem:$0x3FB5]  }
0x2f: {  	lr =	sadd.s32 s0, s3;
	s0 =	sld [smem:$0x3FAC]  }
0x30: {  	s3 =	sld [smem:$0x3FAF]  }
0x31: {  	[smem:$0x3FB8] =	sst s10  }
0x32: {  	s10 =	sld [smem:$0x3FB6];
	_ =	sdelay $0x3  }
0x33: {  	p0 =	seq.s32 s10, $0x1;
	s10 =	sld [smem:$0x3FB8];
	_ =	sdelay $0x3  }
0x34: {  	[smem:$0x3FB8] =	sst s10  }
0x35: {  	s10 =	sld [smem:$0x3FB7];
	_ =	sdelay $0x3  }
0x36: {  	p1 =	seq.s32 s10, $0x1;
	s10 =	sld [smem:$0x3FB8];
	_ =	sdelay $0x3  }
0x37: {  	[smem:$0x3FB8] =	sst s10  }
0x38: {  	s10 =	sld [smem:$0x3FB9]  }
0x39: {  	_ = 	snop;
	(pc) =	sbr.ind lr, $3  }
0x3a: {  	_ = 	snop  }
0x3b: {  	_ = 	snop  }
0x3c: {  	p2 =	seq.s32 s10, $0x1;
	s10 =	sld [smem:$0x3FB8]  }
0x3d: {  	_ =	shalt  }
0x3e: {  	_ =	shalt  }
0x3f: {  	_ =	shalt  }
0x40: {  	_ =	shalt  }
0x41: {  	_ =	shalt  }
0x42: {  	_ =	shalt  }
0x43: {  	_ =	shalt  }
0x44: {  	_ =	shalt  }
0x45: {  	_ =	shalt  }
0x46: {  	_ =	shalt  }
0x47: {  	_ =	shalt  }
0x48: {  	_ =	shalt  }
0x49: {  	_ =	shalt  }
0x4a: {  	_ =	shalt  }
0x4b: {  	_ =	shalt  }
0x4c: {  	_ =	shalt  }
0x4d: {  	_ =	shalt  }
0x4e: {  	_ =	shalt  }
0x4f: {  	_ =	shalt  }
0x50: {  	_ =	shalt  }
0x51: {  	_ =	shalt  }
0x52: {  	_ =	shalt  }
0x53: {  	_ =	shalt  }
0x54: {  	_ =	shalt  }
0x55: {  	_ =	shalt  }
0x56: {  	_ =	shalt  }
0x57: {  	_ =	shalt  }
0x58: {  	_ =	shalt  }
0x59: {  	_ =	shalt  }
0x5a: {  	_ =	shalt  }
0x5b: {  	_ =	shalt  }
0x5c: {  	_ =	shalt  }
0x5d: {  	_ =	shalt  }
0x5e: {  	_ =	shalt  }
0x5f: {  	_ =	shalt  }
0x60: {  	_ =	shalt  }
0x61: {  	_ =	shalt  }
0x62: {  	_ =	shalt  }
0x63: {  	_ =	shalt  }
0x64: {  	_ =	shalt  }
0x65: {  	_ =	shalt  }
0x66: {  	_ =	shalt  }
0x67: {  	_ =	shalt  }
0x68: {  	_ =	shalt  }
0x69: {  	_ =	shalt  }
0x6a: {  	_ =	shalt  }
0x6b: {  	_ =	shalt  }
0x6c: {  	_ =	shalt  }
0x6d: {  	_ =	shalt  }
0x6e: {  	_ =	shalt  }
0x6f: {  	_ =	shalt  }
0x70: {  	_ =	shalt  }
0x71: {  	_ =	shalt  }
0x72: {  	_ =	shalt  }
0x73: {  	_ =	shalt  }
0x74: {  	_ =	shalt  }
0x75: {  	_ =	shalt  }
0x76: {  	_ =	shalt  }
0x77: {  	_ =	shalt  }
0x78: {  	_ =	shalt  }
0x79: {  	_ =	shalt  }
0x7a: {  	_ =	shalt  }
0x7b: {  	_ =	shalt  }
0x7c: {  	_ =	shalt  }
0x7d: {  	_ =	shalt  }
0x7e: {  	_ =	shalt  }
0x7f: {  	_ =	shalt  }
0x80: {  	_ =	shalt  }
0x81: {  	_ =	shalt  }
0x82: {  	_ =	shalt  }
0x83: {  	_ =	shalt  }
0x84: {  	_ =	shalt  }
0x85: {  	_ =	shalt  }
0x86: {  	_ =	shalt  }
0x87: {  	_ =	shalt  }
.Lfunc_end0:
.L_simem_size_0:
called_computation.1_lowered:
.L_overlay_start_0:
0x88: {  	s2 =	sld [smem:$0x3FD9]  }
0x89: {  	s3 =	sld [smem:$0x3FFE];
	_ =	sdelay $0x1  }
0x8a: {  	s1 =	srdreg.scid  }
0x8b: {  	s0 =	sand.u32 $0x1, s1  }
0x8c: {  	s17 =	sshll.u32 s0, $0xA;
	s2 =	sadd.s32 s3, s2  }
0x8d: {  	s2 =	sadd.s32 s2, s17  }
0x8e: {  	[smem:$0x3FC4] =	sst s2  }
0x8f: {  	_ = 	snop  }
0x90: {  	s2 =	sld [smem:$0x3FD0];
	(tm) =	ssettm $0x1  }
0x91: {  	s18 =	sld [smem:$0x3FFB];
	_ =	sdelay $0x3  }
0x92: {  	_ =	strace s18  }
0x93: {  	s3 =	sld [smem:$0x3FFC];
	_ =	sdelay $0x3  }
0x94: {  	_ =	strace s3  }
0x95: {  	s3 =	sld [smem:$0x3FFD];
	_ =	sdelay $0x3  }
0x96: {  	_ =	strace s3  }
0x97: {  	_ =	strace $0x8FFFFFFF  }
0x98: {  	s19 =	sld [smem:$0x3FDB];
	_ =	sdelay $0x1  }
0x99: {  	s4 =	simm.s32 $_scs_section_size  }
0x9a: {  	s5 =	simm.s32 $_size__tile_overlayer_lowered;
	s6 =	simm.s32 $_tile_overlayer_lowered  }
0x9b: {  	s22 =	simm.s32 $0x1BFF;
	s21 =	sshll.u32 s6, $0x1;
	s3 =	sadd.s32 s4, s19  }
0x9c: {  	s7 =	simm.s32 $0x0;
	s20 =	sshll.u32 s5, $0x1;
	s5 =	sadd.s32 s21, s3  }
0x9d: {  	[timem:s7], [sflag:s22] =	dma.local [hbm:s5], s20  }
0x9e: {  	_ =	swait.ge [sflag:s22], s20  }
0x9f: {  	s4 =	ssub.s32 $0x0, s20;
	[sflag:s22] =	ssyncset.done $0x0  }
0xa0: {  	[sflag:s22] =	ssyncadd.s32 s4;
	_ =	sdelay $0x1  }
0xa1: {  	s23 =	simm.s32 $0x1B8B  }
0xa2: {  	_ =	swait.ge [sflag:s23], $0x1  }
0xa3: {  	[sflag:s23] =	ssyncset.done $0x0  }
0xa4: {  	s25 =	simm.s32 $0x1B8E;
	s24 =	sld [smem:$0x3FFE];
	[sflag:s23] =	ssyncadd.s32 $0xFFFFFFFF  }
0xa5: {  	s26 =	simm.s32 $execute0_lowered;
	[smem:$0x3FD2] =	sst s25  }
0xa6: {  	s5 =	sshll.u32 s26, $0x1;
	_ =	strace $0x80000049;
	[dreg:$0x1] =	wrdreg $0xFFFFFFFF  }
0xa7: {  	s28 =	simm.s32 $_size_execute0_lowered;
	s3 =	sadd.s32 s3, s5;
	[dreg:$0x0] =	wrdreg $0x0  }
0xa8: {  	s5 =	sshll.u32 s28, $0x1;
	[dreg:$0x2] =	wrdreg s3  }
0xa9: {  	[dreg:$0x3] =	wrdreg s5  }
0xaa: {  	[dreg:$0x4] =	wrdreg $0xC0  }
0xab: {  	_ =	task [dreg:s7], $0x5FFFF  }
0xac: {  	[dreg:$0x1] =	wrdreg $0xFFFFFFFF  }
0xad: {  	[dreg:$0x0] =	wrdreg $0x60  }
0xae: {  	[dreg:$0x2] =	wrdreg s24  }
0xaf: {  	[dreg:$0x3] =	wrdreg s2  }
0xb0: {  	[dreg:$0x4] =	wrdreg $0xDE000  }
0xb1: {  	[dreg:$0x5] =	wrdreg $0x9  }
0xb2: {  	_ =	task.clear_ibuf [dreg:s7], $0x6FFFF;
	_ =	strace $0x90000049  }
0xb3: {  	s29 =	simm.s32 $0x9;
	_ =	strace $0x8000004B  }
0xb4: {  	_ =	swait.ge [sflag:s29], $0x1  }
0xb5: {  	[sflag:s29] =	ssyncadd.s32 $0xFFFFFFFF  }
0xb6: {  	_ =	strace $0x9000004B  }
0xb7: {  	_ =	sfence  }
0xb8: {  	s30 =	sld [smem:$0x0];
	_ =	sdelay $0x2  }
0xb9: {  	s31 =	sshll.u32 s1, $0xD;
	s1 =	sshrl.u32 s1, $0x2  }
0xba: {  	s3 =	sand.u32 $0x4000, s31;
	s1 =	sadd.s32 s1, s30  }
0xbb: {  	s0 =	sor.u32 s3, s0;
	s1 =	sshll.u32 s1, $0x11  }
0xbc: {  	s0 =	sor.u32 s1, s0  }
0xbd: {  	s0 =	sadd.s32 $0x8F2B, s0  }
0xbe: {  	[sflag:s0] =	ssyncadd.remote.s32 $0x1  }
0xbf: {  	_ =	sfence.sel $0xFFFF  }
0xc0: {  	[dreg:$0x0] =	wrdreg $0xFFFFFFFF;
	(pc) =	sbr.abs _section_cstart, $3  }
0xc1: {  	[dreg:$0x1] =	wrdreg $0xFFFFFFFF  }
0xc2: {  	_ =	task.clear_ibuf [dreg:s7], $0x2FFFF;
	_ =	strace $0x9FFFFFFF  }
0xc3: {  	(tm) =	ssettm $0x7FFFFFFF  }
tec
execute0_lowered:
.L_overlay_start_1:
0x0: {  	(tag) =	ssettag $0x1  }
0x1: {  	s5 =	rddreg [dreg:$0x0]  }
0x2: {  	s1 =	rddreg [dreg:$0x1]  }
0x3: {  	s2 =	rddreg [dreg:$0x2]  }
0x4: {  	s3 =	srdreg.scid;
	s0 =	rddreg [dreg:$0x3];
	s4 =	simm.s32 $0x0  }
0x5: {  	s14 =	simm.s32 $0x80;
	s15 =	simm.s32 $0x9E00;
	s16 =	simm.s32 $0xBE00  }
0x6: {  	s17 =	simm.s32 $0x1;
	s18 =	simm.s32 $0x2;
	s19 =	simm.s32 $0x4E80  }
0x7: {  	s20 =	simm.s32 $0x9D00;
	s6 =	sand.u32 $0x1, s3;
	s3 =	stileid.u32  }
0x8: {  	s21 =	simm.s32 $0x9D80;
	[smem:$0x7FF] =	sst s4;
	s7 =	smul.u32 $0xA0000, s6  }
0x9: {  	s22 =	simm.s32 $0x0;
	s8 =	smul.u32 $0xA000, s3;
	_ =	strace $0x8000004A  }
0xa: {  	s10 =	smul.u32 $0x9E0, s3;
	s6 =	ssub.s32 $0x2, s6;
	s31 =	sshll.u32 s3, $0x6  }
0xb: {  	s30 =	sshrl.u32 s6, $0x1;
	s9 =	sshrl.u32 s7, $0x3;
	s7 =	sadd.s32 s8, s7  }
0xc: {  	s10 =	sadd.s32 s10, s5;
	s12 =	ssub.s32 s6, s30;
	s13 =	sadd.s32 s8, s2  }
0xd: {  	s9 =	sadd.s32 s9, s5;
	s7 =	sshrl.u32 s7, $0x3;
	s6 =	sadd.s32 $0xC400, s10  }
0xe: {  	s11 =	sadd.s32 s7, s5;
	s5 =	sor.u32 $0x1C03, s31;
	s7 =	sadd.s32 $0x1800, s10  }
0xf: {  	s8 =	sadd.s32 $0x66200, s9;
	s10 =	smax.u32 s12, $0x1;
	s12 =	simm.s32 $0x3  }
0x10: {  	s9 =	sadd.s32 $0x8E200, s11;
	s11 =	sshrl.u32 s13, $0x3;
	s13 =	simm.s32 $0x4F00  }
.LBB2_1:
0x11: {  	[spmem:s11], [sflag:s5] =	dma.local [hbm:s1], $0x1400  }
0x12: {  	_ =	swait.ge [sflag:s12], $0x1400  }
0x13: {  	[sflag:s12] =	ssyncset.done $0x0  }
0x14: {  	[sflag:s12] =	ssyncadd.s32 $0xFFFFEC00  }
0x15: {  	[tilespmem:s4], [sflag:$0x3] =	stream.linear.gather [hbm4b:s6+s4], $0x4F00, $0x38;
	[tilespmem:$0x17E00] =	vst v63  }
0x16: {  	_ =	swait.ge [sflag:s12], $0x4F00  }
0x17: {  	[sflag:s12] =	ssyncset.done $0x0  }
0x18: {  	[sflag:s12] =	ssyncadd.s32 $0xFFFFB100  }
0x19: {  	[tilespmem:s13], [sflag:$0x3] =	stream.linear.gather [hbm4b:s7+s4], $0x4F00, $0x38;
	[tilespmem:$0x17E00] =	vst v63  }
0x1a: {  	_ =	swait.ge [sflag:s12], $0x4F00  }
0x1b: {  	[sflag:s12] =	ssyncset.done $0x0  }
0x1c: {  	[sflag:s12] =	ssyncadd.s32 $0xFFFFB100  }
0x1d: {  	[bflag:$0x0] =	sbarrier.arrive $0xFFFF  }
0x1e: {  	[tilespmem:s15], [sflag:$0x1] =	stream.indirect.gather [hbm4b:s8+s14], $0x40, s4, s14, $0xb8;
	[tilespmem:$0x17E00] =	vst v63  }
0x1f: {  	s23 =	simm.s32 $0x80  }
0x20: {  	[tilespmem:s16], [sflag:$0x2] =	stream.indirect.gather [hbm4b:s8+s14], $0x40, s23, s14, $0xb8;
	[tilespmem:$0x17E00] =	vst v63  }
0x21: {  	_ =	swait.ge [sflag:s17], $0x2000  }
0x22: {  	[sflag:s17] =	ssyncset.done $0x0  }
0x23: {  	s29 =	simm.s32 $0x4F00;
	[sflag:s17] =	ssyncadd.s32 $0xFFFFE000  }
0x24: {  	[spmem:s2] =	stream.indirect.scatter.add.f32 [tilespmem:s15], [sflag:$0x3], $0x40, s29, s14, $0xb8;
	[tilespmem:$0x17E00] =	vst v63  }
0x25: {  	_ =	swait.ge [sflag:s12], $0x2000  }
0x26: {  	[sflag:s12] =	ssyncset.done $0x0  }
0x27: {  	s30 =	simm.s32 $0x100;
	[sflag:s12] =	ssyncadd.s32 $0xFFFFE000  }
0x28: {  	[tilespmem:s15], [sflag:$0x1] =	stream.indirect.gather [hbm4b:s8+s14], $0x40, s30, s14, $0xb8;
	[tilespmem:$0x17E00] =	vst v63  }
0x29: {  	_ =	swait.ge [sflag:s18], $0x2000  }
0x2a: {  	[sflag:s18] =	ssyncset.done $0x0  }
0x2b: {  	s31 =	simm.s32 $0x4F80;
	[sflag:s18] =	ssyncadd.s32 $0xFFFFE000  }
0x2c: {  	[spmem:s2] =	stream.indirect.scatter.add.f32 [tilespmem:s16], [sflag:$0x3], $0x40, s31, s14, $0xb8;
	[tilespmem:$0x17E00] =	vst v63  }
0x2d: {  	_ =	swait.ge [sflag:s12], $0x2000  }
0x2e: {  	s24 =	simm.s32 $0x800;
	s23 =	simm.s32 $0x100;
	[sflag:s12] =	ssyncset.done $0x0  }
.LBB2_2:
0x2f: {  	s25 =	sadd.s32 $0x80, s23  }
0x30: {  	[sflag:s12] =	ssyncadd.s32 $0xFFFFE000;
	s26 =	smov.u32 s24;
	s28 =	sadd.s32 $0x400, s24  }
0x31: {  	[tilespmem:s16], [sflag:$0x2] =	stream.indirect.gather [hbm4b:s8+s14], $0x40, s25, s14, $0xb8;
	[tilespmem:$0x17E00] =	vst v63  }
0x32: {  	p0 =	sne.s32 s24, $0x13400;
	_ =	swait.ge [sflag:s17], $0x2000  }
0x33: {  	[sflag:s17] =	ssyncset.done $0x0  }
0x34: {  	s24 =	sadd.s32 $0x4F00, s23;
	[sflag:s17] =	ssyncadd.s32 $0xFFFFE000  }
0x35: {  	[spmem:s2] =	stream.indirect.scatter.add.f32 [tilespmem:s15], [sflag:$0x3], $0x40, s24, s14, $0xb8;
	[tilespmem:$0x17E00] =	vst v63  }
0x36: {  	_ =	swait.ge [sflag:s12], $0x2000  }
0x37: {  	[sflag:s12] =	ssyncset.done $0x0  }
0x38: {  	s24 =	sadd.s32 $0x100, s23;
	[sflag:s12] =	ssyncadd.s32 $0xFFFFE000  }
0x39: {  	[tilespmem:s15], [sflag:$0x1] =	stream.indirect.gather [hbm4b:s8+s14], $0x40, s24, s14, $0xb8;
	[tilespmem:$0x17E00] =	vst v63  }
0x3a: {  	_ =	swait.ge [sflag:s18], $0x2000  }
.Ltmp0:
0x3b: {  	[sflag:s18] =	ssyncset.done $0x0;
	(pc) =	sbr.rel @p0 .LBB2_2-.Ltmp0, $4  }
0x3c: {  	s23 =	sadd.s32 $0x4F80, s23;
	[sflag:s18] =	ssyncadd.s32 $0xFFFFE000  }
0x3d: {  	[spmem:s2] =	stream.indirect.scatter.add.f32 [tilespmem:s16], [sflag:$0x3], $0x40, s23, s14, $0xb8;
	[tilespmem:$0x17E00] =	vst v63  }
0x3e: {  	_ =	swait.ge [sflag:s12], $0x2000  }
0x3f: {  	s24 =	smov.u32 s28;
	s23 =	sshra.s32 s26, $0x2;
	[sflag:s12] =	ssyncset.done $0x0  }
0x40: {  	s24 =	sadd.s32 $0x80, s23;
	[sflag:s12] =	ssyncadd.s32 $0xFFFFE000  }
0x41: {  	[tilespmem:s16], [sflag:$0x2] =	stream.indirect.gather [hbm4b:s8+s14], $0x40, s24, s14, $0xb8;
	[tilespmem:$0x17E00] =	vst v63  }
0x42: {  	_ =	swait.ge [sflag:s17], $0x2000  }
0x43: {  	[sflag:s17] =	ssyncset.done $0x0  }
0x44: {  	s29 =	sadd.s32 $0x4F00, s23;
	[sflag:s17] =	ssyncadd.s32 $0xFFFFE000  }
0x45: {  	[spmem:s2] =	stream.indirect.scatter.add.f32 [tilespmem:s15], [sflag:$0x3], $0x40, s29, s14, $0xb8;
	[tilespmem:$0x17E00] =	vst v63  }
0x46: {  	_ =	swait.ge [sflag:s12], $0x2000  }
0x47: {  	[sflag:s12] =	ssyncset.done $0x0  }
0x48: {  	s30 =	sadd.s32 $0x100, s23;
	[sflag:s12] =	ssyncadd.s32 $0xFFFFE000  }
0x49: {  	[tilespmem:s15], [sflag:$0x1] =	stream.indirect.gather [hbm4b:s8+s14], $0x40, s30, s14, $0xb8;
	[tilespmem:$0x17E00] =	vst v63  }
0x4a: {  	_ =	swait.ge [sflag:s18], $0x2000  }
0x4b: {  	[sflag:s18] =	ssyncset.done $0x0  }
0x4c: {  	s31 =	sadd.s32 $0x4F80, s23;
	[sflag:s18] =	ssyncadd.s32 $0xFFFFE000  }
0x4d: {  	[spmem:s2] =	stream.indirect.scatter.add.f32 [tilespmem:s16], [sflag:$0x3], $0x40, s31, s14, $0xb8;
	[tilespmem:$0x17E00] =	vst v63  }
0x4e: {  	_ =	swait.ge [sflag:s12], $0x2000  }
0x4f: {  	[sflag:s12] =	ssyncset.done $0x0  }
0x50: {  	[sflag:s12] =	ssyncadd.s32 $0xFFFFE000  }
0x51: {  	[tilespmem:s16], [sflag:$0x2] =	stream.indirect.gather [hbm4b:s8+s14], $0x40, s19, s14, $0xb8;
	[tilespmem:$0x17E00] =	vst v63  }
0x52: {  	_ =	swait.ge [sflag:s17], $0x2000  }
0x53: {  	[sflag:s17] =	ssyncset.done $0x0  }
0x54: {  	[sflag:s17] =	ssyncadd.s32 $0xFFFFE000  }
0x55: {  	[spmem:s2] =	stream.indirect.scatter.add.f32 [tilespmem:s15], [sflag:$0x3], $0x40, s20, s14, $0xb8;
	[tilespmem:$0x17E00] =	vst v63  }
0x56: {  	_ =	swait.ge [sflag:s12], $0x2000  }
0x57: {  	[sflag:s12] =	ssyncset.done $0x0  }
0x58: {  	[sflag:s12] =	ssyncadd.s32 $0xFFFFE000  }
0x59: {  	_ =	swait.ge [sflag:s18], $0x2000  }
0x5a: {  	[sflag:s18] =	ssyncset.done $0x0  }
0x5b: {  	[sflag:s18] =	ssyncadd.s32 $0xFFFFE000  }
0x5c: {  	[spmem:s2] =	stream.indirect.scatter.add.f32 [tilespmem:s16], [sflag:$0x3], $0x40, s21, s14, $0xb8;
	[tilespmem:$0x17E00] =	vst v63  }
0x5d: {  	_ =	swait.ge [sflag:s12], $0x2000  }
0x5e: {  	s22 =	sadd.s32 $0x1, s22;
	[sflag:s12] =	ssyncset.done $0x0  }
0x5f: {  	p0 =	sne.s32 s22, s10;
	[sflag:s12] =	ssyncadd.s32 $0xFFFFE000  }
.Ltmp1:
0x60: {  	[bflag:$0x0] =	sbarrier.arrive $0xFFFF;
	(pc) =	sbr.rel @p0 .LBB2_1-.Ltmp1, $4  }
0x61: {  	[hbm:s9], [sflag:s5] =	dma.local [spmem:s11], $0x1400  }
0x62: {  	_ =	swait.ge [sflag:s12], $0x1400  }
0x63: {  	[sflag:s12] =	ssyncset.done $0x0  }
0x64: {  	[sflag:s12] =	ssyncadd.s32 $0xFFFFEC00  }
0x65: {  	_ =	sfence.sel $0x180000  }
0x66: {  	[bflag:$0x0] =	sbarrier.arrive $0xFFFF  }
0x67: {  	p0 =	sne.s32 s3, $0x0;
	_ =	strace $0x9000004A  }
0x68: {  	s0 =	sadd.s32 @!p0 $0x100000, s0;
	[bflag:$0x2] =	sbarrier.arrive $0xFFFF  }
0x69: {  	[sflag:s0] =	ssyncadd.tile.s32 @!p0 $0x1;
	_ =	shalt  }
.Lfunc_end2:
_tile_overlayer_lowered:
.L_overlay_start_2:
0x6a: {  	(tag) =	ssettag $0x2  }
0x6b: {  	s0 =	rddreg [dreg:$0x0];
	s2 =	stileid.u32  }
0x6c: {  	s1 =	rddreg [dreg:$0x1];
	p0 =	sne.s32 s2, $0x0  }
0x6d: {  	s3 =	rddreg [dreg:$0x2];
	[bflag:$0x3] =	sbarrier.arrive $0xFFFF;
	s2 =	simm.s32 @!p0 $0x1C03  }
0x6e: {  	[timem:s3], [sflag:s2] =	dma.local @!p0 [hbm:s0], s1  }
0x6f: {  	s0 =	simm.s32 @!p0 $0x3  }
0x70: {  	_ =	swait.ge @!p0 [sflag:s0], s1  }
0x71: {  	s1 =	ssub.s32 @!p0 $0x0, s1;
	[sflag:s0] =	ssyncset.done @!p0 $0x0  }
0x72: {  	[sflag:s0] =	ssyncadd.s32 @!p0 s1  }
0x73: {  	[bflag:$0x3] =	sbarrier.arrive $0xFFFF  }
0x74: {  	_ =	shalt  }

// kernel: kernel.14.cloned.1.call-start
scs
__scs_entry_jumppad:
0x0: {  	(pc) =	sbr.rel $0x88, $3  }
0x1: {  	(tag) =	ssettag $0x0;
	lr =	simm.s32 $0x1  }
0x2: {  	[smem:$0x3F9D] =	sst lr;
	_ =	strace $0xD0000000  }
0x3: {  	_ = 	snop  }
0x4: {  	_ = 	snop  }
0x5: {  	_ = 	snop  }
0x6: {  	_ = 	snop  }
0x7: {  	_ = 	snop  }
__scs_overlays_trampoline_lowered:
0x8: {  	[smem:$0x3FAC] =	sst s0  }
0x9: {  	[smem:$0x3FAD] =	sst s1  }
0xa: {  	[smem:$0x3FAE] =	sst s2  }
0xb: {  	[smem:$0x3FAF] =	sst s3  }
0xc: {  	[smem:$0x3FB0] =	sst s4  }
0xd: {  	[smem:$0x3FB1] =	sst s5  }
0xe: {  	[smem:$0x3FB2] =	sst s6  }
0xf: {  	[smem:$0x3FB3] =	sst s7  }
0x10: {  	[smem:$0x3FB4] =	sst s8  }
0x11: {  	[smem:$0x3FB5] =	sst s9;
	s0 =	simm.s32 @!p0 $0x0  }
0x12: {  	s1 =	sld [smem:$0x3F9B];
	s0 =	simm.s32 @p0 $0x1  }
0x13: {  	[smem:$0x3FB6] =	sst s0;
	s0 =	simm.s32 @!p1 $0x0  }
0x14: {  	s2 =	sld [smem:$0x3F9A];
	s0 =	simm.s32 @p1 $0x1  }
0x15: {  	[smem:$0x3FB7] =	sst s0;
	s0 =	simm.s32 @!p2 $0x0  }
0x16: {  	s3 =	sld [smem:$0x3FDB];
	s0 =	simm.s32 @p2 $0x1  }
0x17: {  	s4 =	simm.s32 $0x1BF5;
	[smem:$0x3FB9] =	sst s0  }
0x18: {  	s0 =	sld [smem:$0x3F9C];
	_ =	swait.ge [sflag:s4], $0x0  }
0x19: {  	s7 =	sld [smem:$0x3F9D]  }
0x1a: {  	s8 =	sadd.s32 $0xFFFFE003, lr  }
0x1b: {  	s9 =	sadd.s32 $0xFFFFFEF7, lr;
	s5 =	simm.s32 $0xFFFFFFFF;
	p2 =	slt.u32 s8, $0xFFFFF086  }
0x1c: {  	p1 =	slt.u32 s9, $0xF7A;
	s5 =	simm.s32 @!p2 $0x0  }
0x1d: {  	s5 =	simm.s32 @p1 $0x1;
	p0 =	seq.s32 s7, s2  }
0x1e: {  	s7 =	smul.u32 @!p0 $0xF7A, s2;
	p2 =	seq.s32 @!p0 s5, $0x0  }
0x1f: {  	s9 =	smul.u32 $0xF7A, s1;
	s8 =	simm.s32 @!p0 $0x1BF5;
	p2 =	por !p2, p0  }
0x20: {  	[sflag:s8] =	ssyncset.s32 @!p0 $0xFFFFF086;
	s6 =	sadd.s32 @!p0 s3, s7;
	s7 =	simm.s32 @!p0 $0x108  }
0x21: {  	s3 =	sadd.s32 s3, s9;
	s6 =	sadd.s32 @!p0 $0x88, s6;
	s7 =	simm.s32 @p2 $0x1082  }
0x22: {  	[simem:s7], [sflag:s8] =	dma.local @!p0 [hbm:s6], $0xF7A  }
0x23: {  	s9 =	sor.u32 $0xD0000000, s2;
	s6 =	simm.s32 $0x108;
	_ =	swait.ge @!p0 [sflag:s8], $0x0  }
0x24: {  	s3 =	sadd.s32 $0x88, s3;
	s6 =	simm.s32 @!p1 $0x1082;
	[sflag:s4] =	ssyncset.s32 $0xFFFFF086  }
0x25: {  	[simem:s6], [sflag:s4] =	dma.local [hbm:s3], $0xF7A  }
0x26: {  	[smem:$0x3F9D] =	sst s1;
	(tag) =	ssettag s2;
	_ =	strace s9  }
0x27: {  	s1 =	sld [smem:$0x3FAD]  }
0x28: {  	s2 =	sld [smem:$0x3FAE]  }
0x29: {  	s4 =	sld [smem:$0x3FB0]  }
0x2a: {  	p0 =	seq.s32 s5, $0x0;
	s5 =	sld [smem:$0x3FB1]  }
0x2b: {  	s6 =	sld [smem:$0x3FB2]  }
0x2c: {  	s7 =	sld [smem:$0x3FB3]  }
0x2d: {  	s3 =	simm.s32 $0x108;
	s8 =	sld [smem:$0x3FB4]  }
0x2e: {  	s3 =	simm.s32 @!p0 $0x1082;
	s9 =	sld [smem:$0x3FB5]  }
0x2f: {  	lr =	sadd.s32 s0, s3;
	s0 =	sld [smem:$0x3FAC]  }
0x30: {  	s3 =	sld [smem:$0x3FAF]  }
0x31: {  	[smem:$0x3FB8] =	sst s10  }
0x32: {  	s10 =	sld [smem:$0x3FB6];
	_ =	sdelay $0x3  }
0x33: {  	p0 =	seq.s32 s10, $0x1;
	s10 =	sld [smem:$0x3FB8];
	_ =	sdelay $0x3  }
0x34: {  	[smem:$0x3FB8] =	sst s10  }
0x35: {  	s10 =	sld [smem:$0x3FB7];
	_ =	sdelay $0x3  }
0x36: {  	p1 =	seq.s32 s10, $0x1;
	s10 =	sld [smem:$0x3FB8];
	_ =	sdelay $0x3  }
0x37: {  	[smem:$0x3FB8] =	sst s10  }
0x38: {  	s10 =	sld [smem:$0x3FB9]  }
0x39: {  	_ = 	snop;
	(pc) =	sbr.ind lr, $3  }
0x3a: {  	_ = 	snop  }
0x3b: {  	_ = 	snop  }
0x3c: {  	p2 =	seq.s32 s10, $0x1;
	s10 =	sld [smem:$0x3FB8]  }
0x3d: {  	_ =	shalt  }
0x3e: {  	_ =	shalt  }
0x3f: {  	_ =	shalt  }
0x40: {  	_ =	shalt  }
0x41: {  	_ =	shalt  }
0x42: {  	_ =	shalt  }
0x43: {  	_ =	shalt  }
0x44: {  	_ =	shalt  }
0x45: {  	_ =	shalt  }
0x46: {  	_ =	shalt  }
0x47: {  	_ =	shalt  }
0x48: {  	_ =	shalt  }
0x49: {  	_ =	shalt  }
0x4a: {  	_ =	shalt  }
0x4b: {  	_ =	shalt  }
0x4c: {  	_ =	shalt  }
0x4d: {  	_ =	shalt  }
0x4e: {  	_ =	shalt  }
0x4f: {  	_ =	shalt  }
0x50: {  	_ =	shalt  }
0x51: {  	_ =	shalt  }
0x52: {  	_ =	shalt  }
0x53: {  	_ =	shalt  }
0x54: {  	_ =	shalt  }
0x55: {  	_ =	shalt  }
0x56: {  	_ =	shalt  }
0x57: {  	_ =	shalt  }
0x58: {  	_ =	shalt  }
0x59: {  	_ =	shalt  }
0x5a: {  	_ =	shalt  }
0x5b: {  	_ =	shalt  }
0x5c: {  	_ =	shalt  }
0x5d: {  	_ =	shalt  }
0x5e: {  	_ =	shalt  }
0x5f: {  	_ =	shalt  }
0x60: {  	_ =	shalt  }
0x61: {  	_ =	shalt  }
0x62: {  	_ =	shalt  }
0x63: {  	_ =	shalt  }
0x64: {  	_ =	shalt  }
0x65: {  	_ =	shalt  }
0x66: {  	_ =	shalt  }
0x67: {  	_ =	shalt  }
0x68: {  	_ =	shalt  }
0x69: {  	_ =	shalt  }
0x6a: {  	_ =	shalt  }
0x6b: {  	_ =	shalt  }
0x6c: {  	_ =	shalt  }
0x6d: {  	_ =	shalt  }
0x6e: {  	_ =	shalt  }
0x6f: {  	_ =	shalt  }
0x70: {  	_ =	shalt  }
0x71: {  	_ =	shalt  }
0x72: {  	_ =	shalt  }
0x73: {  	_ =	shalt  }
0x74: {  	_ =	shalt  }
0x75: {  	_ =	shalt  }
0x76: {  	_ =	shalt  }
0x77: {  	_ =	shalt  }
0x78: {  	_ =	shalt  }
0x79: {  	_ =	shalt  }
0x7a: {  	_ =	shalt  }
0x7b: {  	_ =	shalt  }
0x7c: {  	_ =	shalt  }
0x7d: {  	_ =	shalt  }
0x7e: {  	_ =	shalt  }
0x7f: {  	_ =	shalt  }
0x80: {  	_ =	shalt  }
0x81: {  	_ =	shalt  }
0x82: {  	_ =	shalt  }
0x83: {  	_ =	shalt  }
0x84: {  	_ =	shalt  }
0x85: {  	_ =	shalt  }
0x86: {  	_ =	shalt  }
0x87: {  	_ =	shalt  }
.Lfunc_end0:
.L_simem_size_0:
called_computation.2_lowered:
.L_overlay_start_0:
0x88: {  	s2 =	sld [smem:$0x3FD9]  }
0x89: {  	s3 =	sld [smem:$0x3FFE];
	_ =	sdelay $0x1  }
0x8a: {  	s1 =	srdreg.scid  }
0x8b: {  	s0 =	sand.u32 $0x1, s1  }
0x8c: {  	s17 =	sshll.u32 s0, $0xA;
	s2 =	sadd.s32 s3, s2  }
0x8d: {  	s2 =	sadd.s32 s2, s17  }
0x8e: {  	[smem:$0x3FC4] =	sst s2  }
0x8f: {  	_ = 	snop  }
0x90: {  	s2 =	sld [smem:$0x3FD0];
	(tm) =	ssettm $0x1  }
0x91: {  	s18 =	sld [smem:$0x3FFB];
	_ =	sdelay $0x3  }
0x92: {  	_ =	strace s18  }
0x93: {  	s3 =	sld [smem:$0x3FFC];
	_ =	sdelay $0x3  }
0x94: {  	_ =	strace s3  }
0x95: {  	s3 =	sld [smem:$0x3FFD];
	_ =	sdelay $0x3  }
0x96: {  	_ =	strace s3  }
0x97: {  	_ =	strace $0x8FFFFFFF  }
0x98: {  	s19 =	sld [smem:$0x3FDB];
	_ =	sdelay $0x1  }
0x99: {  	s4 =	simm.s32 $_scs_section_size  }
0x9a: {  	s5 =	simm.s32 $_size__tile_overlayer_lowered;
	s6 =	simm.s32 $_tile_overlayer_lowered  }
0x9b: {  	s22 =	simm.s32 $0x1BFF;
	s21 =	sshll.u32 s6, $0x1;
	s3 =	sadd.s32 s4, s19  }
0x9c: {  	s7 =	simm.s32 $0x0;
	s20 =	sshll.u32 s5, $0x1;
	s5 =	sadd.s32 s21, s3  }
0x9d: {  	[timem:s7], [sflag:s22] =	dma.local [hbm:s5], s20  }
0x9e: {  	_ =	swait.ge [sflag:s22], s20  }
0x9f: {  	s4 =	ssub.s32 $0x0, s20;
	[sflag:s22] =	ssyncset.done $0x0  }
0xa0: {  	[sflag:s22] =	ssyncadd.s32 s4;
	_ =	sdelay $0x1  }
0xa1: {  	s23 =	simm.s32 $0x1B8B  }
0xa2: {  	_ =	swait.ge [sflag:s23], $0x1  }
0xa3: {  	[sflag:s23] =	ssyncset.done $0x0  }
0xa4: {  	s25 =	simm.s32 $0x1B8E;
	s24 =	sld [smem:$0x3FFE];
	[sflag:s23] =	ssyncadd.s32 $0xFFFFFFFF  }
0xa5: {  	s26 =	simm.s32 $execute0_lowered;
	[smem:$0x3FD2] =	sst s25  }
0xa6: {  	s5 =	sshll.u32 s26, $0x1;
	_ =	strace $0x8000004C;
	[dreg:$0x1] =	wrdreg $0xFFFFFFFF  }
0xa7: {  	s28 =	simm.s32 $_size_execute0_lowered;
	s3 =	sadd.s32 s3, s5;
	[dreg:$0x0] =	wrdreg $0x0  }
0xa8: {  	s5 =	sshll.u32 s28, $0x1;
	[dreg:$0x2] =	wrdreg s3  }
0xa9: {  	[dreg:$0x3] =	wrdreg s5  }
0xaa: {  	[dreg:$0x4] =	wrdreg $0xC0  }
0xab: {  	_ =	task [dreg:s7], $0x5FFFF  }
0xac: {  	[dreg:$0x1] =	wrdreg $0xFFFFFFFF  }
0xad: {  	[dreg:$0x0] =	wrdreg $0x60  }
0xae: {  	[dreg:$0x2] =	wrdreg s24  }
0xaf: {  	[dreg:$0x3] =	wrdreg s2  }
0xb0: {  	[dreg:$0x4] =	wrdreg $0xDE000  }
0xb1: {  	[dreg:$0x5] =	wrdreg $0x9  }
0xb2: {  	_ =	task.clear_ibuf [dreg:s7], $0x6FFFF;
	_ =	strace $0x9000004C  }
0xb3: {  	s29 =	simm.s32 $0x9;
	_ =	strace $0x8000004E  }
0xb4: {  	_ =	swait.ge [sflag:s29], $0x1  }
0xb5: {  	[sflag:s29] =	ssyncadd.s32 $0xFFFFFFFF  }
0xb6: {  	_ =	strace $0x9000004E  }
0xb7: {  	_ =	sfence  }
0xb8: {  	s30 =	sld [smem:$0x0];
	_ =	sdelay $0x2  }
0xb9: {  	s31 =	sshll.u32 s1, $0xD;
	s1 =	sshrl.u32 s1, $0x2  }
0xba: {  	s3 =	sand.u32 $0x4000, s31;
	s1 =	sadd.s32 s1, s30  }
0xbb: {  	s0 =	sor.u32 s3, s0;
	s1 =	sshll.u32 s1, $0x11  }
0xbc: {  	s0 =	sor.u32 s1, s0  }
0xbd: {  	s0 =	sadd.s32 $0x8F2B, s0  }
0xbe: {  	[sflag:s0] =	ssyncadd.remote.s32 $0x1  }
0xbf: {  	_ =	sfence.sel $0xFFFF  }
0xc0: {  	[dreg:$0x0] =	wrdreg $0xFFFFFFFF;
	(pc) =	sbr.abs _section_cstart, $3  }
0xc1: {  	[dreg:$0x1] =	wrdreg $0xFFFFFFFF  }
0xc2: {  	_ =	task.clear_ibuf [dreg:s7], $0x2FFFF;
	_ =	strace $0x9FFFFFFF  }
0xc3: {  	(tm) =	ssettm $0x7FFFFFFF  }
tec
execute0_lowered:
.L_overlay_start_1:
0x0: {  	(tag) =	ssettag $0x1  }
0x1: {  	s5 =	rddreg [dreg:$0x0]  }
0x2: {  	s1 =	rddreg [dreg:$0x1]  }
0x3: {  	s2 =	rddreg [dreg:$0x2]  }
0x4: {  	s3 =	srdreg.scid;
	s0 =	rddreg [dreg:$0x3];
	s4 =	simm.s32 $0x0  }
0x5: {  	s14 =	simm.s32 $0x80;
	s15 =	simm.s32 $0x9E00;
	s16 =	simm.s32 $0xBE00  }
0x6: {  	s17 =	simm.s32 $0x1;
	s18 =	simm.s32 $0x2;
	s19 =	simm.s32 $0x4E80  }
0x7: {  	s20 =	simm.s32 $0x9D00;
	s6 =	sand.u32 $0x1, s3;
	s3 =	stileid.u32  }
0x8: {  	s21 =	simm.s32 $0x9D80;
	[smem:$0x7FF] =	sst s4;
	s7 =	smul.u32 $0xA0000, s6  }
0x9: {  	s22 =	simm.s32 $0x0;
	s8 =	smul.u32 $0xA000, s3;
	_ =	strace $0x8000004D  }
0xa: {  	s10 =	smul.u32 $0x9E0, s3;
	s6 =	ssub.s32 $0x2, s6;
	s31 =	sshll.u32 s3, $0x6  }
0xb: {  	s30 =	sshrl.u32 s6, $0x1;
	s9 =	sshrl.u32 s7, $0x3;
	s7 =	sadd.s32 s8, s7  }
0xc: {  	s10 =	sadd.s32 s10, s5;
	s12 =	ssub.s32 s6, s30;
	s13 =	sadd.s32 s8, s2  }
0xd: {  	s9 =	sadd.s32 s9, s5;
	s7 =	sshrl.u32 s7, $0x3;
	s6 =	sadd.s32 $0xC400, s10  }
0xe: {  	s11 =	sadd.s32 s7, s5;
	s5 =	sor.u32 $0x1C03, s31;
	s7 =	sadd.s32 $0x1800, s10  }
0xf: {  	s8 =	sadd.s32 $0x66200, s9;
	s10 =	smax.u32 s12, $0x1;
	s12 =	simm.s32 $0x3  }
0x10: {  	s9 =	sadd.s32 $0x8E200, s11;
	s11 =	sshrl.u32 s13, $0x3;
	s13 =	simm.s32 $0x4F00  }
.LBB2_1:
0x11: {  	[spmem:s11], [sflag:s5] =	dma.local [hbm:s1], $0x1400  }
0x12: {  	_ =	swait.ge [sflag:s12], $0x1400  }
0x13: {  	[sflag:s12] =	ssyncset.done $0x0  }
0x14: {  	[sflag:s12] =	ssyncadd.s32 $0xFFFFEC00  }
0x15: {  	[tilespmem:s4], [sflag:$0x3] =	stream.linear.gather [hbm4b:s6+s4], $0x4F00, $0x38;
	[tilespmem:$0x17E00] =	vst v63  }
0x16: {  	_ =	swait.ge [sflag:s12], $0x4F00  }
0x17: {  	[sflag:s12] =	ssyncset.done $0x0  }
0x18: {  	[sflag:s12] =	ssyncadd.s32 $0xFFFFB100  }
0x19: {  	[tilespmem:s13], [sflag:$0x3] =	stream.linear.gather [hbm4b:s7+s4], $0x4F00, $0x38;
	[tilespmem:$0x17E00] =	vst v63  }
0x1a: {  	_ =	swait.ge [sflag:s12], $0x4F00  }
0x1b: {  	[sflag:s12] =	ssyncset.done $0x0  }
0x1c: {  	[sflag:s12] =	ssyncadd.s32 $0xFFFFB100  }
0x1d: {  	[bflag:$0x0] =	sbarrier.arrive $0xFFFF  }
0x1e: {  	[tilespmem:s15], [sflag:$0x1] =	stream.indirect.gather [hbm4b:s8+s14], $0x40, s4, s14, $0xb8;
	[tilespmem:$0x17E00] =	vst v63  }
0x1f: {  	s23 =	simm.s32 $0x80  }
0x20: {  	[tilespmem:s16], [sflag:$0x2] =	stream.indirect.gather [hbm4b:s8+s14], $0x40, s23, s14, $0xb8;
	[tilespmem:$0x17E00] =	vst v63  }
0x21: {  	_ =	swait.ge [sflag:s17], $0x2000  }
0x22: {  	[sflag:s17] =	ssyncset.done $0x0  }
0x23: {  	s29 =	simm.s32 $0x4F00;
	[sflag:s17] =	ssyncadd.s32 $0xFFFFE000  }
0x24: {  	[spmem:s2] =	stream.indirect.scatter.add.f32 [tilespmem:s15], [sflag:$0x3], $0x40, s29, s14, $0xb8;
	[tilespmem:$0x17E00] =	vst v63  }
0x25: {  	_ =	swait.ge [sflag:s12], $0x2000  }
0x26: {  	[sflag:s12] =	ssyncset.done $0x0  }
0x27: {  	s30 =	simm.s32 $0x100;
	[sflag:s12] =	ssyncadd.s32 $0xFFFFE000  }
0x28: {  	[tilespmem:s15], [sflag:$0x1] =	stream.indirect.gather [hbm4b:s8+s14], $0x40, s30, s14, $0xb8;
	[tilespmem:$0x17E00] =	vst v63  }
0x29: {  	_ =	swait.ge [sflag:s18], $0x2000  }
0x2a: {  	[sflag:s18] =	ssyncset.done $0x0  }
0x2b: {  	s31 =	simm.s32 $0x4F80;
	[sflag:s18] =	ssyncadd.s32 $0xFFFFE000  }
0x2c: {  	[spmem:s2] =	stream.indirect.scatter.add.f32 [tilespmem:s16], [sflag:$0x3], $0x40, s31, s14, $0xb8;
	[tilespmem:$0x17E00] =	vst v63  }
0x2d: {  	_ =	swait.ge [sflag:s12], $0x2000  }
0x2e: {  	s24 =	simm.s32 $0x800;
	s23 =	simm.s32 $0x100;
	[sflag:s12] =	ssyncset.done $0x0  }
.LBB2_2:
0x2f: {  	s25 =	sadd.s32 $0x80, s23  }
0x30: {  	[sflag:s12] =	ssyncadd.s32 $0xFFFFE000;
	s26 =	smov.u32 s24;
	s28 =	sadd.s32 $0x400, s24  }
0x31: {  	[tilespmem:s16], [sflag:$0x2] =	stream.indirect.gather [hbm4b:s8+s14], $0x40, s25, s14, $0xb8;
	[tilespmem:$0x17E00] =	vst v63  }
0x32: {  	p0 =	sne.s32 s24, $0x13400;
	_ =	swait.ge [sflag:s17], $0x2000  }
0x33: {  	[sflag:s17] =	ssyncset.done $0x0  }
0x34: {  	s24 =	sadd.s32 $0x4F00, s23;
	[sflag:s17] =	ssyncadd.s32 $0xFFFFE000  }
0x35: {  	[spmem:s2] =	stream.indirect.scatter.add.f32 [tilespmem:s15], [sflag:$0x3], $0x40, s24, s14, $0xb8;
	[tilespmem:$0x17E00] =	vst v63  }
0x36: {  	_ =	swait.ge [sflag:s12], $0x2000  }
0x37: {  	[sflag:s12] =	ssyncset.done $0x0  }
0x38: {  	s24 =	sadd.s32 $0x100, s23;
	[sflag:s12] =	ssyncadd.s32 $0xFFFFE000  }
0x39: {  	[tilespmem:s15], [sflag:$0x1] =	stream.indirect.gather [hbm4b:s8+s14], $0x40, s24, s14, $0xb8;
	[tilespmem:$0x17E00] =	vst v63  }
0x3a: {  	_ =	swait.ge [sflag:s18], $0x2000  }
.Ltmp0:
0x3b: {  	[sflag:s18] =	ssyncset.done $0x0;
	(pc) =	sbr.rel @p0 .LBB2_2-.Ltmp0, $4  }
0x3c: {  	s23 =	sadd.s32 $0x4F80, s23;
	[sflag:s18] =	ssyncadd.s32 $0xFFFFE000  }
0x3d: {  	[spmem:s2] =	stream.indirect.scatter.add.f32 [tilespmem:s16], [sflag:$0x3], $0x40, s23, s14, $0xb8;
	[tilespmem:$0x17E00] =	vst v63  }
0x3e: {  	_ =	swait.ge [sflag:s12], $0x2000  }
0x3f: {  	s24 =	smov.u32 s28;
	s23 =	sshra.s32 s26, $0x2;
	[sflag:s12] =	ssyncset.done $0x0  }
0x40: {  	s24 =	sadd.s32 $0x80, s23;
	[sflag:s12] =	ssyncadd.s32 $0xFFFFE000  }
0x41: {  	[tilespmem:s16], [sflag:$0x2] =	stream.indirect.gather [hbm4b:s8+s14], $0x40, s24, s14, $0xb8;
	[tilespmem:$0x17E00] =	vst v63  }
0x42: {  	_ =	swait.ge [sflag:s17], $0x2000  }
0x43: {  	[sflag:s17] =	ssyncset.done $0x0  }
0x44: {  	s29 =	sadd.s32 $0x4F00, s23;
	[sflag:s17] =	ssyncadd.s32 $0xFFFFE000  }
0x45: {  	[spmem:s2] =	stream.indirect.scatter.add.f32 [tilespmem:s15], [sflag:$0x3], $0x40, s29, s14, $0xb8;
	[tilespmem:$0x17E00] =	vst v63  }
0x46: {  	_ =	swait.ge [sflag:s12], $0x2000  }
0x47: {  	[sflag:s12] =	ssyncset.done $0x0  }
0x48: {  	s30 =	sadd.s32 $0x100, s23;
	[sflag:s12] =	ssyncadd.s32 $0xFFFFE000  }
0x49: {  	[tilespmem:s15], [sflag:$0x1] =	stream.indirect.gather [hbm4b:s8+s14], $0x40, s30, s14, $0xb8;
	[tilespmem:$0x17E00] =	vst v63  }
0x4a: {  	_ =	swait.ge [sflag:s18], $0x2000  }
0x4b: {  	[sflag:s18] =	ssyncset.done $0x0  }
0x4c: {  	s31 =	sadd.s32 $0x4F80, s23;
	[sflag:s18] =	ssyncadd.s32 $0xFFFFE000  }
0x4d: {  	[spmem:s2] =	stream.indirect.scatter.add.f32 [tilespmem:s16], [sflag:$0x3], $0x40, s31, s14, $0xb8;
	[tilespmem:$0x17E00] =	vst v63  }
0x4e: {  	_ =	swait.ge [sflag:s12], $0x2000  }
0x4f: {  	[sflag:s12] =	ssyncset.done $0x0  }
0x50: {  	[sflag:s12] =	ssyncadd.s32 $0xFFFFE000  }
0x51: {  	[tilespmem:s16], [sflag:$0x2] =	stream.indirect.gather [hbm4b:s8+s14], $0x40, s19, s14, $0xb8;
	[tilespmem:$0x17E00] =	vst v63  }
0x52: {  	_ =	swait.ge [sflag:s17], $0x2000  }
0x53: {  	[sflag:s17] =	ssyncset.done $0x0  }
0x54: {  	[sflag:s17] =	ssyncadd.s32 $0xFFFFE000  }
0x55: {  	[spmem:s2] =	stream.indirect.scatter.add.f32 [tilespmem:s15], [sflag:$0x3], $0x40, s20, s14, $0xb8;
	[tilespmem:$0x17E00] =	vst v63  }
0x56: {  	_ =	swait.ge [sflag:s12], $0x2000  }
0x57: {  	[sflag:s12] =	ssyncset.done $0x0  }
0x58: {  	[sflag:s12] =	ssyncadd.s32 $0xFFFFE000  }
0x59: {  	_ =	swait.ge [sflag:s18], $0x2000  }
0x5a: {  	[sflag:s18] =	ssyncset.done $0x0  }
0x5b: {  	[sflag:s18] =	ssyncadd.s32 $0xFFFFE000  }
0x5c: {  	[spmem:s2] =	stream.indirect.scatter.add.f32 [tilespmem:s16], [sflag:$0x3], $0x40, s21, s14, $0xb8;
	[tilespmem:$0x17E00] =	vst v63  }
0x5d: {  	_ =	swait.ge [sflag:s12], $0x2000  }
0x5e: {  	s22 =	sadd.s32 $0x1, s22;
	[sflag:s12] =	ssyncset.done $0x0  }
0x5f: {  	p0 =	sne.s32 s22, s10;
	[sflag:s12] =	ssyncadd.s32 $0xFFFFE000  }
.Ltmp1:
0x60: {  	[bflag:$0x0] =	sbarrier.arrive $0xFFFF;
	(pc) =	sbr.rel @p0 .LBB2_1-.Ltmp1, $4  }
0x61: {  	[hbm:s9], [sflag:s5] =	dma.local [spmem:s11], $0x1400  }
0x62: {  	_ =	swait.ge [sflag:s12], $0x1400  }
0x63: {  	[sflag:s12] =	ssyncset.done $0x0  }
0x64: {  	[sflag:s12] =	ssyncadd.s32 $0xFFFFEC00  }
0x65: {  	_ =	sfence.sel $0x180000  }
0x66: {  	[bflag:$0x0] =	sbarrier.arrive $0xFFFF  }
0x67: {  	p0 =	sne.s32 s3, $0x0;
	_ =	strace $0x9000004D  }
0x68: {  	s0 =	sadd.s32 @!p0 $0x100000, s0;
	[bflag:$0x2] =	sbarrier.arrive $0xFFFF  }
0x69: {  	[sflag:s0] =	ssyncadd.tile.s32 @!p0 $0x1;
	_ =	shalt  }
.Lfunc_end2:
_tile_overlayer_lowered:
.L_overlay_start_2:
0x6a: {  	(tag) =	ssettag $0x2  }
0x6b: {  	s0 =	rddreg [dreg:$0x0];
	s2 =	stileid.u32  }
0x6c: {  	s1 =	rddreg [dreg:$0x1];
	p0 =	sne.s32 s2, $0x0  }
0x6d: {  	s3 =	rddreg [dreg:$0x2];
	[bflag:$0x3] =	sbarrier.arrive $0xFFFF;
	s2 =	simm.s32 @!p0 $0x1C03  }
0x6e: {  	[timem:s3], [sflag:s2] =	dma.local @!p0 [hbm:s0], s1  }
0x6f: {  	s0 =	simm.s32 @!p0 $0x3  }
0x70: {  	_ =	swait.ge @!p0 [sflag:s0], s1  }
0x71: {  	s1 =	ssub.s32 @!p0 $0x0, s1;
	[sflag:s0] =	ssyncset.done @!p0 $0x0  }
0x72: {  	[sflag:s0] =	ssyncadd.s32 @!p0 s1  }
0x73: {  	[bflag:$0x3] =	sbarrier.arrive $0xFFFF  }
0x74: {  	_ =	shalt  }

// kernel: kernel.8.cloned.1.call-start
scs
__scs_entry_jumppad:
0x0: {  	(pc) =	sbr.rel $0x88, $3  }
0x1: {  	(tag) =	ssettag $0x0;
	lr =	simm.s32 $0x1  }
0x2: {  	[smem:$0x3F9D] =	sst lr;
	_ =	strace $0xD0000000  }
0x3: {  	_ = 	snop  }
0x4: {  	_ = 	snop  }
0x5: {  	_ = 	snop  }
0x6: {  	_ = 	snop  }
0x7: {  	_ = 	snop  }
__scs_overlays_trampoline_lowered:
0x8: {  	[smem:$0x3FAC] =	sst s0  }
0x9: {  	[smem:$0x3FAD] =	sst s1  }
0xa: {  	[smem:$0x3FAE] =	sst s2  }
0xb: {  	[smem:$0x3FAF] =	sst s3  }
0xc: {  	[smem:$0x3FB0] =	sst s4  }
0xd: {  	[smem:$0x3FB1] =	sst s5  }
0xe: {  	[smem:$0x3FB2] =	sst s6  }
0xf: {  	[smem:$0x3FB3] =	sst s7  }
0x10: {  	[smem:$0x3FB4] =	sst s8  }
0x11: {  	[smem:$0x3FB5] =	sst s9;
	s0 =	simm.s32 @!p0 $0x0  }
0x12: {  	s1 =	sld [smem:$0x3F9B];
	s0 =	simm.s32 @p0 $0x1  }
0x13: {  	[smem:$0x3FB6] =	sst s0;
	s0 =	simm.s32 @!p1 $0x0  }
0x14: {  	s2 =	sld [smem:$0x3F9A];
	s0 =	simm.s32 @p1 $0x1  }
0x15: {  	[smem:$0x3FB7] =	sst s0;
	s0 =	simm.s32 @!p2 $0x0  }
0x16: {  	s3 =	sld [smem:$0x3FDB];
	s0 =	simm.s32 @p2 $0x1  }
0x17: {  	s4 =	simm.s32 $0x1BF5;
	[smem:$0x3FB9] =	sst s0  }
0x18: {  	s0 =	sld [smem:$0x3F9C];
	_ =	swait.ge [sflag:s4], $0x0  }
0x19: {  	s7 =	sld [smem:$0x3F9D]  }
0x1a: {  	s8 =	sadd.s32 $0xFFFFE003, lr  }
0x1b: {  	s9 =	sadd.s32 $0xFFFFFEF7, lr;
	s5 =	simm.s32 $0xFFFFFFFF;
	p2 =	slt.u32 s8, $0xFFFFF086  }
0x1c: {  	p1 =	slt.u32 s9, $0xF7A;
	s5 =	simm.s32 @!p2 $0x0  }
0x1d: {  	s5 =	simm.s32 @p1 $0x1;
	p0 =	seq.s32 s7, s2  }
0x1e: {  	s7 =	smul.u32 @!p0 $0xF7A, s2;
	p2 =	seq.s32 @!p0 s5, $0x0  }
0x1f: {  	s9 =	smul.u32 $0xF7A, s1;
	s8 =	simm.s32 @!p0 $0x1BF5;
	p2 =	por !p2, p0  }
0x20: {  	[sflag:s8] =	ssyncset.s32 @!p0 $0xFFFFF086;
	s6 =	sadd.s32 @!p0 s3, s7;
	s7 =	simm.s32 @!p0 $0x108  }
0x21: {  	s3 =	sadd.s32 s3, s9;
	s6 =	sadd.s32 @!p0 $0x88, s6;
	s7 =	simm.s32 @p2 $0x1082  }
0x22: {  	[simem:s7], [sflag:s8] =	dma.local @!p0 [hbm:s6], $0xF7A  }
0x23: {  	s9 =	sor.u32 $0xD0000000, s2;
	s6 =	simm.s32 $0x108;
	_ =	swait.ge @!p0 [sflag:s8], $0x0  }
0x24: {  	s3 =	sadd.s32 $0x88, s3;
	s6 =	simm.s32 @!p1 $0x1082;
	[sflag:s4] =	ssyncset.s32 $0xFFFFF086  }
0x25: {  	[simem:s6], [sflag:s4] =	dma.local [hbm:s3], $0xF7A  }
0x26: {  	[smem:$0x3F9D] =	sst s1;
	(tag) =	ssettag s2;
	_ =	strace s9  }
0x27: {  	s1 =	sld [smem:$0x3FAD]  }
0x28: {  	s2 =	sld [smem:$0x3FAE]  }
0x29: {  	s4 =	sld [smem:$0x3FB0]  }
0x2a: {  	p0 =	seq.s32 s5, $0x0;
	s5 =	sld [smem:$0x3FB1]  }
0x2b: {  	s6 =	sld [smem:$0x3FB2]  }
0x2c: {  	s7 =	sld [smem:$0x3FB3]  }
0x2d: {  	s3 =	simm.s32 $0x108;
	s8 =	sld [smem:$0x3FB4]  }
0x2e: {  	s3 =	simm.s32 @!p0 $0x1082;
	s9 =	sld [smem:$0x3FB5]  }
0x2f: {  	lr =	sadd.s32 s0, s3;
	s0 =	sld [smem:$0x3FAC]  }
0x30: {  	s3 =	sld [smem:$0x3FAF]  }
0x31: {  	[smem:$0x3FB8] =	sst s10  }
0x32: {  	s10 =	sld [smem:$0x3FB6];
	_ =	sdelay $0x3  }
0x33: {  	p0 =	seq.s32 s10, $0x1;
	s10 =	sld [smem:$0x3FB8];
	_ =	sdelay $0x3  }
0x34: {  	[smem:$0x3FB8] =	sst s10  }
0x35: {  	s10 =	sld [smem:$0x3FB7];
	_ =	sdelay $0x3  }
0x36: {  	p1 =	seq.s32 s10, $0x1;
	s10 =	sld [smem:$0x3FB8];
	_ =	sdelay $0x3  }
0x37: {  	[smem:$0x3FB8] =	sst s10  }
0x38: {  	s10 =	sld [smem:$0x3FB9]  }
0x39: {  	_ = 	snop;
	(pc) =	sbr.ind lr, $3  }
0x3a: {  	_ = 	snop  }
0x3b: {  	_ = 	snop  }
0x3c: {  	p2 =	seq.s32 s10, $0x1;
	s10 =	sld [smem:$0x3FB8]  }
0x3d: {  	_ =	shalt  }
0x3e: {  	_ =	shalt  }
0x3f: {  	_ =	shalt  }
0x40: {  	_ =	shalt  }
0x41: {  	_ =	shalt  }
0x42: {  	_ =	shalt  }
0x43: {  	_ =	shalt  }
0x44: {  	_ =	shalt  }
0x45: {  	_ =	shalt  }
0x46: {  	_ =	shalt  }
0x47: {  	_ =	shalt  }
0x48: {  	_ =	shalt  }
0x49: {  	_ =	shalt  }
0x4a: {  	_ =	shalt  }
0x4b: {  	_ =	shalt  }
0x4c: {  	_ =	shalt  }
0x4d: {  	_ =	shalt  }
0x4e: {  	_ =	shalt  }
0x4f: {  	_ =	shalt  }
0x50: {  	_ =	shalt  }
0x51: {  	_ =	shalt  }
0x52: {  	_ =	shalt  }
0x53: {  	_ =	shalt  }
0x54: {  	_ =	shalt  }
0x55: {  	_ =	shalt  }
0x56: {  	_ =	shalt  }
0x57: {  	_ =	shalt  }
0x58: {  	_ =	shalt  }
0x59: {  	_ =	shalt  }
0x5a: {  	_ =	shalt  }
0x5b: {  	_ =	shalt  }
0x5c: {  	_ =	shalt  }
0x5d: {  	_ =	shalt  }
0x5e: {  	_ =	shalt  }
0x5f: {  	_ =	shalt  }
0x60: {  	_ =	shalt  }
0x61: {  	_ =	shalt  }
0x62: {  	_ =	shalt  }
0x63: {  	_ =	shalt  }
0x64: {  	_ =	shalt  }
0x65: {  	_ =	shalt  }
0x66: {  	_ =	shalt  }
0x67: {  	_ =	shalt  }
0x68: {  	_ =	shalt  }
0x69: {  	_ =	shalt  }
0x6a: {  	_ =	shalt  }
0x6b: {  	_ =	shalt  }
0x6c: {  	_ =	shalt  }
0x6d: {  	_ =	shalt  }
0x6e: {  	_ =	shalt  }
0x6f: {  	_ =	shalt  }
0x70: {  	_ =	shalt  }
0x71: {  	_ =	shalt  }
0x72: {  	_ =	shalt  }
0x73: {  	_ =	shalt  }
0x74: {  	_ =	shalt  }
0x75: {  	_ =	shalt  }
0x76: {  	_ =	shalt  }
0x77: {  	_ =	shalt  }
0x78: {  	_ =	shalt  }
0x79: {  	_ =	shalt  }
0x7a: {  	_ =	shalt  }
0x7b: {  	_ =	shalt  }
0x7c: {  	_ =	shalt  }
0x7d: {  	_ =	shalt  }
0x7e: {  	_ =	shalt  }
0x7f: {  	_ =	shalt  }
0x80: {  	_ =	shalt  }
0x81: {  	_ =	shalt  }
0x82: {  	_ =	shalt  }
0x83: {  	_ =	shalt  }
0x84: {  	_ =	shalt  }
0x85: {  	_ =	shalt  }
0x86: {  	_ =	shalt  }
0x87: {  	_ =	shalt  }
.Lfunc_end0:
.L_simem_size_0:
called_computation_lowered:
.L_overlay_start_0:
0x88: {  	s2 =	sld [smem:$0x3FD9]  }
0x89: {  	s3 =	sld [smem:$0x3FFE];
	_ =	sdelay $0x1  }
0x8a: {  	s1 =	srdreg.scid  }
0x8b: {  	s0 =	sand.u32 $0x1, s1  }
0x8c: {  	s17 =	sshll.u32 s0, $0xA;
	s2 =	sadd.s32 s3, s2  }
0x8d: {  	s2 =	sadd.s32 s2, s17  }
0x8e: {  	[smem:$0x3FC4] =	sst s2  }
0x8f: {  	_ = 	snop  }
0x90: {  	s2 =	sld [smem:$0x3FD0];
	(tm) =	ssettm $0x1  }
0x91: {  	s18 =	sld [smem:$0x3FFB];
	_ =	sdelay $0x3  }
0x92: {  	_ =	strace s18  }
0x93: {  	s3 =	sld [smem:$0x3FFC];
	_ =	sdelay $0x3  }
0x94: {  	_ =	strace s3  }
0x95: {  	s3 =	sld [smem:$0x3FFD];
	_ =	sdelay $0x3  }
0x96: {  	_ =	strace s3  }
0x97: {  	_ =	strace $0x8FFFFFFF  }
0x98: {  	s19 =	sld [smem:$0x3FDB];
	_ =	sdelay $0x1  }
0x99: {  	s4 =	simm.s32 $_scs_section_size  }
0x9a: {  	s5 =	simm.s32 $_size__tile_overlayer_lowered;
	s6 =	simm.s32 $_tile_overlayer_lowered  }
0x9b: {  	s22 =	simm.s32 $0x1BFF;
	s21 =	sshll.u32 s6, $0x1;
	s3 =	sadd.s32 s4, s19  }
0x9c: {  	s7 =	simm.s32 $0x0;
	s20 =	sshll.u32 s5, $0x1;
	s5 =	sadd.s32 s21, s3  }
0x9d: {  	[timem:s7], [sflag:s22] =	dma.local [hbm:s5], s20  }
0x9e: {  	_ =	swait.ge [sflag:s22], s20  }
0x9f: {  	s4 =	ssub.s32 $0x0, s20;
	[sflag:s22] =	ssyncset.done $0x0  }
0xa0: {  	[sflag:s22] =	ssyncadd.s32 s4;
	_ =	sdelay $0x1  }
0xa1: {  	s23 =	simm.s32 $0x1B8B  }
0xa2: {  	_ =	swait.ge [sflag:s23], $0x1  }
0xa3: {  	[sflag:s23] =	ssyncset.done $0x0  }
0xa4: {  	s25 =	simm.s32 $0x1B8E;
	s24 =	sld [smem:$0x3FFE];
	[sflag:s23] =	ssyncadd.s32 $0xFFFFFFFF  }
0xa5: {  	s26 =	simm.s32 $execute0_lowered;
	[smem:$0x3FD2] =	sst s25  }
0xa6: {  	s5 =	sshll.u32 s26, $0x1;
	_ =	strace $0x80000046;
	[dreg:$0x1] =	wrdreg $0xFFFFFFFF  }
0xa7: {  	s28 =	simm.s32 $_size_execute0_lowered;
	s3 =	sadd.s32 s3, s5;
	[dreg:$0x0] =	wrdreg $0x0  }
0xa8: {  	s5 =	sshll.u32 s28, $0x1;
	[dreg:$0x2] =	wrdreg s3  }
0xa9: {  	[dreg:$0x3] =	wrdreg s5  }
0xaa: {  	[dreg:$0x4] =	wrdreg $0xC0  }
0xab: {  	_ =	task [dreg:s7], $0x5FFFF  }
0xac: {  	[dreg:$0x1] =	wrdreg $0xFFFFFFFF  }
0xad: {  	[dreg:$0x0] =	wrdreg $0x60  }
0xae: {  	[dreg:$0x2] =	wrdreg s2  }
0xaf: {  	[dreg:$0x3] =	wrdreg s24  }
0xb0: {  	[dreg:$0x4] =	wrdreg $0x50800  }
0xb1: {  	[dreg:$0x5] =	wrdreg $0x9  }
0xb2: {  	_ =	task.clear_ibuf [dreg:s7], $0x6FFFF;
	_ =	strace $0x90000046  }
0xb3: {  	s29 =	simm.s32 $0x9;
	_ =	strace $0x80000048  }
0xb4: {  	_ =	swait.ge [sflag:s29], $0x1  }
0xb5: {  	[sflag:s29] =	ssyncadd.s32 $0xFFFFFFFF  }
0xb6: {  	_ =	strace $0x90000048  }
0xb7: {  	_ =	sfence  }
0xb8: {  	s30 =	sld [smem:$0x0];
	_ =	sdelay $0x2  }
0xb9: {  	s31 =	sshll.u32 s1, $0xD;
	s1 =	sshrl.u32 s1, $0x2  }
0xba: {  	s3 =	sand.u32 $0x4000, s31;
	s1 =	sadd.s32 s1, s30  }
0xbb: {  	s0 =	sor.u32 s3, s0;
	s1 =	sshll.u32 s1, $0x11  }
0xbc: {  	s0 =	sor.u32 s1, s0  }
0xbd: {  	s0 =	sadd.s32 $0x8F2B, s0  }
0xbe: {  	[sflag:s0] =	ssyncadd.remote.s32 $0x1  }
0xbf: {  	_ =	sfence.sel $0xFFFF  }
0xc0: {  	[dreg:$0x0] =	wrdreg $0xFFFFFFFF;
	(pc) =	sbr.abs _section_cstart, $3  }
0xc1: {  	[dreg:$0x1] =	wrdreg $0xFFFFFFFF  }
0xc2: {  	_ =	task.clear_ibuf [dreg:s7], $0x2FFFF;
	_ =	strace $0x9FFFFFFF  }
0xc3: {  	(tm) =	ssettm $0x7FFFFFFF  }
tec
execute0_lowered:
.L_overlay_start_1:
0x0: {  	(tag) =	ssettag $0x1  }
0x1: {  	s7 =	rddreg [dreg:$0x0]  }
0x2: {  	s6 =	rddreg [dreg:$0x1]  }
0x3: {  	s2 =	rddreg [dreg:$0x2]  }
0x4: {  	s0 =	rddreg [dreg:$0x3]  }
0x5: {  	s3 =	simm.s32 $0x0;
	s4 =	srdreg.scid;
	s1 =	stileid.u32  }
0x6: {  	s14 =	simm.s32 $0x80;
	s15 =	simm.s32 $0x20;
	s16 =	simm.s32 $0x10  }
0x7: {  	s17 =	simm.s32 $0x0;
	[smem:$0x7FF] =	sst s3;
	s5 =	smul.u32 $0x500, s1  }
0x8: {  	s8 =	sand.u32 $0x1, s4;
	s4 =	sadd.s32 $0xB800, s6;
	s11 =	smul.u32 $0xA00, s1  }
0x9: {  	s31 =	sshll.u32 s1, $0x6;
	_ =	strace $0x80000047;
	s9 =	sshll.u32 s8, $0x7  }
0xa: {  	s10 =	ssub.s32 $0x2, s8;
	s13 =	smul.u32 $0x9E00, s8;
	s9 =	sor.u32 s9, s5  }
0xb: {  	s5 =	sadd.s32 $0xB600, s6;
	s12 =	sshrl.u32 s10, $0x1;
	s29 =	sshrl.u32 s11, $0x2  }
0xc: {  	s7 =	sadd.s32 s7, s11;
	s9 =	sshrl.u32 s9, $0x3;
	s10 =	ssub.s32 s10, s12  }
0xd: {  	s30 =	sadd.s32 s29, s2;
	s12 =	simm.s32 $0x1;
	s9 =	sadd.s32 s9, s6  }
0xe: {  	s6 =	sor.u32 $0x1C01, s31;
	s11 =	sshrl.u32 s30, $0x3;
	s8 =	sadd.s32 $0xBA00, s9  }
0xf: {  	s9 =	smax.u32 s10, $0x1;
	s10 =	sshrl.u32 s13, $0x2;
	s13 =	simm.s32 $0x5000  }
.LBB2_1:
0x10: {  	[spmem:s11], [sflag:s6] =	dma.local [hbm:s4], $0x50  }
0x11: {  	_ =	swait.ge [sflag:s12], $0x50  }
0x12: {  	[sflag:s12] =	ssyncset.done $0x0  }
0x13: {  	[sflag:s12] =	ssyncadd.s32 $0xFFFFFFB0  }
0x14: {  	[tilespmem:s13], [sflag:$0x1] =	stream.linear.gather [hbm4b:s5+s3], $0x80, $0x38;
	[tilespmem:$0x5300] =	vst v63  }
0x15: {  	_ =	swait.ge [sflag:s12], $0x80  }
0x16: {  	[sflag:s12] =	ssyncset.done $0x0  }
0x17: {  	[sflag:s12] =	ssyncadd.s32 $0xFFFFFF80  }
0x18: {  	[tilespmem:s3], [sflag:$0x1] =	stream.linear.gather [hbm4b:s7+s3], $0x4F00, $0x38;
	[tilespmem:$0x5300] =	vst v63  }
0x19: {  	_ =	swait.ge [sflag:s12], $0x4F00  }
0x1a: {  	[sflag:s12] =	ssyncset.done $0x0  }
0x1b: {  	[sflag:s12] =	ssyncadd.s32 $0xFFFFB100  }
0x1c: {  	s18 =	sadd.s32 $0x0, s10;
	[bflag:$0x0] =	sbarrier.arrive $0xFFFF  }
0x1d: {  	[spmem:s2] =	stream.indirect.scatter.add.f32 [tilespmem:s13], [sflag:$0x1], $0x1, s18, s14, $0xb8;
	[tilespmem:$0x5300] =	vst v63  }
0x1e: {  	s18 =	simm.s32 $0x200;
	_ =	swait.ge [sflag:s12], $0x80  }
.LBB2_2:
0x1f: {  	s19 =	sshra.s32 s18, $0x2;
	[sflag:s12] =	ssyncset.done $0x0;
	p0 =	sne.s32 s18, $0x9C00  }
.Ltmp0:
0x20: {  	s19 =	sadd.s32 s19, s10;
	[sflag:s12] =	ssyncadd.s32 $0xFFFFFF80;
	(pc) =	sbr.rel @p0 .LBB2_2-.Ltmp0, $3  }
0x21: {  	[spmem:s2] =	stream.indirect.scatter.add.f32 [tilespmem:s13], [sflag:$0x1], $0x1, s19, s14, $0xb8;
	[tilespmem:$0x5300] =	vst v63  }
0x22: {  	s18 =	sadd.s32 $0x200, s18;
	_ =	sdelay $0x1  }
0x23: {  	_ =	swait.ge [sflag:s12], $0x80  }
0x24: {  	[sflag:s12] =	ssyncset.done $0x0;
	s17 =	sadd.s32 $0x1, s17  }
0x25: {  	[sflag:s12] =	ssyncadd.s32 $0xFFFFFF80;
	p0 =	sne.s32 s17, s9  }
.Ltmp1:
0x26: {  	[bflag:$0x0] =	sbarrier.arrive $0xFFFF;
	(pc) =	sbr.rel @p0 .LBB2_1-.Ltmp1, $4  }
0x27: {  	[hbm:s8@s15], [sflag:s6] =	dma.strided [spmem:s11@s16], $0x50, s12, $0x10   }
0x28: {  	_ =	swait.ge [sflag:s12], $0x50  }
0x29: {  	[sflag:s12] =	ssyncset.done $0x0  }
0x2a: {  	[sflag:s12] =	ssyncadd.s32 $0xFFFFFFB0  }
0x2b: {  	_ =	sfence.sel $0x180000  }
0x2c: {  	[bflag:$0x0] =	sbarrier.arrive $0xFFFF  }
0x2d: {  	p0 =	sne.s32 s1, $0x0;
	_ =	strace $0x90000047  }
0x2e: {  	s0 =	sadd.s32 @!p0 $0x100000, s0;
	[bflag:$0x2] =	sbarrier.arrive $0xFFFF  }
0x2f: {  	[sflag:s0] =	ssyncadd.tile.s32 @!p0 $0x1;
	_ =	shalt  }
.Lfunc_end2:
_tile_overlayer_lowered:
.L_overlay_start_2:
0x30: {  	(tag) =	ssettag $0x2  }
0x31: {  	s0 =	rddreg [dreg:$0x0];
	s2 =	stileid.u32  }
0x32: {  	s1 =	rddreg [dreg:$0x1];
	p0 =	sne.s32 s2, $0x0  }
0x33: {  	s3 =	rddreg [dreg:$0x2];
	[bflag:$0x3] =	sbarrier.arrive $0xFFFF;
	s2 =	simm.s32 @!p0 $0x1C01  }
0x34: {  	[timem:s3], [sflag:s2] =	dma.local @!p0 [hbm:s0], s1  }
0x35: {  	s0 =	simm.s32 @!p0 $0x1  }
0x36: {  	_ =	swait.ge @!p0 [sflag:s0], s1  }
0x37: {  	s1 =	ssub.s32 @!p0 $0x0, s1;
	[sflag:s0] =	ssyncset.done @!p0 $0x0  }
0x38: {  	[sflag:s0] =	ssyncadd.s32 @!p0 s1  }
0x39: {  	[bflag:$0x3] =	sbarrier.arrive $0xFFFF  }
0x3a: {  	_ =	shalt  }

</sc_bundles>
